<compile_context>
chip_gen: v7x
topology: tpu7x:2x2x1
jax: 0.10.2.dev20260603
libtpu: 0.0.44.dev20260713+nightly
codegen_flags: <defaults>
</compile_context>

<pallas_src>
import functools

import jax
import jax.numpy as jnp
from jax import lax
from jax.experimental import pallas as pl
from jax.experimental.pallas import tpu as pltpu
from jax.experimental.pallas import tpu_sc as plsc

_B = 4096
_NUM = 13
_T = 26
_V = 100000
_D = 32

_NC = 2
_NS = 16
_NW = _NC * _NS
_BPW = _B // _NW

_BM = 512




@functools.cache
def _make_sc_gather():
    mesh = plsc.VectorSubcoreMesh(core_axis_name="c", subcore_axis_name="s")
    return pl.kernel(
        _sc_gather_body,
        mesh=mesh,
        out_type=jax.ShapeDtypeStruct((_B, _T * _D), jnp.float32),
        scratch_types=[
            pltpu.VMEM((_T, _BPW), jnp.int32),
            [pltpu.VMEM((_BPW, _D), jnp.float32)] * 2,
            [pltpu.SemaphoreType.DMA] * 2,
            [pltpu.SemaphoreType.DMA] * 2,
        ],
        compiler_params=pltpu.CompilerParams(use_tc_tiling_on_sc=False),
    )


def _sc_gather_body(tables_hbm, cat_hbm, out_hbm, idx_v, rows_v, gsems, wsems):
    wid = lax.axis_index("s") * _NC + lax.axis_index("c")
    b0 = wid * _BPW

    pltpu.sync_copy(cat_hbm.at[:, pl.ds(b0, _BPW)], idx_v)

    def start(t):
        return pltpu.async_copy(
            tables_hbm.at[t].at[idx_v.at[t]], rows_v[t & 1], gsems[t & 1]
        )

    gcopies = {0: start(0)}
    wcopies = [None, None]
    for t in range(_T):
        tb = t & 1
        if t + 1 < _T:
            if wcopies[(t + 1) & 1] is not None:
                wcopies[(t + 1) & 1].wait()
                wcopies[(t + 1) & 1] = None
            gcopies[t + 1] = start(t + 1)
        gcopies.pop(t).wait()
        wcopies[tb] = pltpu.async_copy(
            rows_v[tb],
            out_hbm.at[pl.ds(b0, _BPW), pl.ds(t * _D, _D)],
            wsems[tb],
        )
    for w in wcopies:
        if w is not None:
            w.wait()




def _tc_body(num_ref, emb_ref, wW_ref, wb_ref, w1n_ref, w1e_ref, b1_ref,
             w2_ref, b2_ref, w3_ref, b3_ref, w4_ref, b4_ref, out_ref):
    f32 = jnp.float32
    num = num_ref[...]
    emb = emb_ref[...]

    h = jnp.dot(emb, w1e_ref[...], preferred_element_type=f32)
    h = h + jnp.dot(num, w1n_ref[...], preferred_element_type=f32)
    h = jnp.maximum(h + b1_ref[...], 0.0)
    h = jnp.maximum(jnp.dot(h, w2_ref[...], preferred_element_type=f32) + b2_ref[...], 0.0)
    h = jnp.maximum(jnp.dot(h, w3_ref[...], preferred_element_type=f32) + b3_ref[...], 0.0)
    dnn = jnp.dot(h, w4_ref[...], preferred_element_type=f32) + b4_ref[...]

    wide = jnp.maximum(jnp.dot(num, wW_ref[...], preferred_element_type=f32) + wb_ref[...], 0.0)

    r = lax.broadcasted_iota(jnp.int32, (_T * _D, _D), 0)
    c = lax.broadcasted_iota(jnp.int32, (_T * _D, _D), 1)
    sel = (r % _D == c).astype(f32)
    cat_sum = jnp.dot(emb, sel, preferred_element_type=f32)

    logit = dnn + cat_sum + wide
    out_ref[...] = jax.nn.sigmoid(logit)


def _tc_forward(num, emb, wW, wb, w1n, w1e, b1, w2, b2, w3, b3, w4, b4):
    h1 = w1e.shape[1]
    h2 = w2.shape[1]
    h3 = w3.shape[1]
    h4 = w4.shape[1]

    def row_map(i):
        return (i, 0)

    def fix_map(i):
        return (0, 0)

    return pl.pallas_call(
        _tc_body,
        grid=(_B // _BM,),
        in_specs=[
            pl.BlockSpec((_BM, _NUM), row_map),
            pl.BlockSpec((_BM, _T * _D), row_map),
            pl.BlockSpec((_NUM, 1), fix_map),
            pl.BlockSpec((1, 1), fix_map),
            pl.BlockSpec((_NUM, h1), fix_map),
            pl.BlockSpec((_T * _D, h1), fix_map),
            pl.BlockSpec((1, h1), fix_map),
            pl.BlockSpec((h1, h2), fix_map),
            pl.BlockSpec((1, h2), fix_map),
            pl.BlockSpec((h2, h3), fix_map),
            pl.BlockSpec((1, h3), fix_map),
            pl.BlockSpec((h3, h4), fix_map),
            pl.BlockSpec((1, h4), fix_map),
        ],
        out_specs=pl.BlockSpec((_BM, h4), row_map),
        out_shape=jax.ShapeDtypeStruct((_B, h4), jnp.float32),
    )(num, emb, wW, wb, w1n, w1e, b1, w2, b2, w3, b3, w4, b4)


def kernel(numerical_features, cat_features, emb_tables, wide_W, wide_b,
           deep_Ws, deep_bs):
    emb_flat = _make_sc_gather()(emb_tables, cat_features)
    w1 = deep_Ws[0]
    return _tc_forward(
        numerical_features, emb_flat,
        wide_W, wide_b.reshape(1, 1),
        w1[:_NUM], w1[_NUM:], deep_bs[0].reshape(1, -1),
        deep_Ws[1], deep_bs[1].reshape(1, -1),
        deep_Ws[2], deep_bs[2].reshape(1, -1),
        deep_Ws[3], deep_bs[3].reshape(1, -1),
    )

# --- scband reference (transcript-rebuilt; emitter-appended) ---
"""Pipeline reference for scband-wide-deep-model-76012331204803 (READ-ONLY COPY).

The authoritative reference and input builder live on the scoring server;
editing this copy changes nothing except your own understanding.
"""

import jax, jax.numpy as jnp
import numpy as np

B = 4096
NUM = 13
T = 26
V = 100000
D = 32
HID = [1024, 1024, 512, 32]


def setup_inputs(seed: int = 0) -> dict:
    key = jax.random.key(seed)
    ks = jax.random.split(key, 8)
    numerical_features = jax.random.normal(ks[0], (B, NUM), dtype=jnp.float32)
    cat_features = jax.random.randint(ks[1], (T, B), 0, V, dtype=jnp.int32)
    emb_tables = jax.random.normal(ks[2], (T, V, D), dtype=jnp.float32) * 0.01
    wide_W = jax.random.normal(ks[3], (NUM, 1), dtype=jnp.float32) * (1.0 / np.sqrt(NUM))
    wide_b = jax.random.normal(ks[4], (1,), dtype=jnp.float32)
    dims = [NUM + T * D] + HID
    deep_Ws = []
    deep_bs = []
    wkeys = jax.random.split(ks[5], len(HID))
    bkeys = jax.random.split(ks[6], len(HID))
    for i in range(len(HID)):
        din, dout = dims[i], dims[i + 1]
        scale = np.sqrt(2.0 / (din + dout))
        deep_Ws.append(jax.random.normal(wkeys[i], (din, dout), dtype=jnp.float32) * scale)
        deep_bs.append(jax.random.normal(bkeys[i], (dout,), dtype=jnp.float32) * np.sqrt(1.0 / dout))
    return {
        'numerical_features': numerical_features,
        'cat_features': cat_features,
        'emb_tables': emb_tables,
        'wide_W': wide_W,
        'wide_b': wide_b,
        'deep_Ws': tuple(deep_Ws),
        'deep_bs': tuple(deep_bs),
    }


def reference(numerical_features, cat_features, emb_tables, wide_W, wide_b, deep_Ws, deep_bs):
    # per-table embedding lookup (gather): [T, B, D]
    emb = jax.vmap(lambda tbl, idx: jnp.take(tbl, idx, axis=0))(emb_tables, cat_features)
    # alltoall with world size 1 is identity; reshape to [B, T, D]
    emb_bt = jnp.transpose(emb, (1, 0, 2))
    # wide (linear) part
    numerical_tensor = jax.nn.relu(numerical_features @ wide_W + wide_b)  # [B, 1]
    categorical_output = jnp.sum(emb_bt, axis=1)  # sum of flattened embeddings: [B, D]
    linear_output = categorical_output + numerical_tensor  # broadcast [B, D]
    # deep part
    x = jnp.concatenate([numerical_features, emb_bt.reshape(B, T * D)], axis=1)
    nlayers = len(deep_Ws)
    for i in range(nlayers):
        x = x @ deep_Ws[i] + deep_bs[i]
        if i < nlayers - 1:
            x = jax.nn.relu(x)
    dnn_output = x  # [B, D]
    logit_out = dnn_output + linear_output
    output = jax.nn.sigmoid(logit_out)
    return output


if False:  # reference __main__ guard neutralized (emitter)
    out = reference(**setup_inputs())
    print(out.shape, out.dtype)

if __name__ == "__main__":
    import jax
    _d = setup_inputs()
    print(jax.jit(kernel)(*tuple(_d.values())))

</pallas_src>

<mosaic_0001>
#map = affine_map<(d0, d1) -> (0, 0, 0)>
#map1 = affine_map<(d0, d1) -> (0, 0)>
module attributes {stable_mosaic.version = 14 : i64} {
  func.func @_sc_gather_body(%arg0: i32, %arg1: i32, %arg2: memref<26x100000x32xf32, #tpu.memory_space<hbm>>, %arg3: memref<26x4096xi32, #tpu.memory_space<hbm>>, %arg4: memref<4096x832xf32, #tpu.memory_space<hbm>>, %arg5: memref<26x128xi32, #tpu.memory_space<vmem>>, %arg6: memref<128x32xf32, #tpu.memory_space<vmem>>, %arg7: memref<128x32xf32, #tpu.memory_space<vmem>>, %arg8: memref<!tpu.dma_semaphore, #tpu.memory_space<semaphore_mem>>, %arg9: memref<!tpu.dma_semaphore, #tpu.memory_space<semaphore_mem>>, %arg10: memref<!tpu.dma_semaphore, #tpu.memory_space<semaphore_mem>>, %arg11: memref<!tpu.dma_semaphore, #tpu.memory_space<semaphore_mem>>) attributes {dimension_semantics = [#tpu.dimension_semantics<core_parallel>, #tpu.dimension_semantics<subcore_parallel>], iteration_bounds = array<i64: 2, 16>, scalar_prefetch = 0 : i64, scratch_operands = 7 : i64, tpu.core_type = #tpu.core_type<sc_vector_subcore>, window_params = [{transform_indices = #map}, {transform_indices = #map1}, {transform_indices = #map1}]} {
    %mul3A = arith.constant 2 : i32
    %mul3A_0 = arith.muli %arg1, %mul3A : i32
    %add3A = arith.addi %mul3A_0, %arg0 : i32
    %mul3A_1 = arith.constant 128 : i32
    %mul3A_2 = arith.muli %add3A, %mul3A_1 : i32
    "tpu.region"() ({
      %run_scoped3A = tpu.sem_alloc : memref<!tpu.dma_semaphore, #tpu.memory_space<semaphore_mem>>
      %dma_start3A_833 = arith.constant 0 : i32
      %dma_start3A_834 = tpu.memref_slice %arg3[%dma_start3A_833, %mul3A_2] : memref<26x4096xi32, #tpu.memory_space<hbm>> -> memref<26x128xi32, #tpu.memory_space<hbm>>
      %dma_start3A_835 = arith.constant 0 : i32
      %dma_start3A_836 = tpu.memref_slice %arg3[%dma_start3A_835, %mul3A_2] : memref<26x4096xi32, #tpu.memory_space<hbm>> -> memref<26x128xi32, #tpu.memory_space<hbm>>
      tpu.enqueue_dma source(%dma_start3A_836 : memref<26x128xi32, #tpu.memory_space<hbm>>) target(%arg5 : memref<26x128xi32, #tpu.memory_space<vmem>>) target_semaphore(%run_scoped3A : memref<!tpu.dma_semaphore, #tpu.memory_space<semaphore_mem>>)
      %dma_wait3A_837 = arith.constant 0 : i32
      %dma_wait3A_838 = tpu.memref_slice %arg3[%dma_wait3A_837, %mul3A_2] : memref<26x4096xi32, #tpu.memory_space<hbm>> -> memref<26x128xi32, #tpu.memory_space<hbm>>
      %dma_wait3A_839 = arith.constant 0 : i32
      %dma_wait3A_840 = tpu.memref_slice %arg3[%dma_wait3A_839, %mul3A_2] : memref<26x4096xi32, #tpu.memory_space<hbm>> -> memref<26x128xi32, #tpu.memory_space<hbm>>
      tpu.wait_dma2 semaphore(%run_scoped3A : memref<!tpu.dma_semaphore, #tpu.memory_space<semaphore_mem>>) src(%dma_wait3A_840 : memref<26x128xi32, #tpu.memory_space<hbm>>) dst(%arg5 : memref<26x128xi32, #tpu.memory_space<vmem>>)
      tpu.yield
    }) : () -> ()
    %dma_start3A = arith.constant 0 : i32
    %dma_start3A_3 = arith.constant 0 : i32
    %dma_start3A_4 = arith.constant 0 : i32
    %dma_start3A_5 = tpu.memref_slice %arg5[%dma_start3A_3, %dma_start3A_4] : memref<26x128xi32, #tpu.memory_space<vmem>> -> memref<1x128xi32, #tpu.memory_space<vmem>>
    %dma_start3A_6 = tpu.memref_squeeze %dma_start3A_5 : memref<1x128xi32, #tpu.memory_space<vmem>> -> memref<128xi32, #tpu.memory_space<vmem>>
    %dma_start3A_7 = arith.constant 0 : i32
    %dma_start3A_8 = arith.constant 0 : i32
    %dma_start3A_9 = tpu.memref_slice %arg2[%dma_start3A, %dma_start3A_7, %dma_start3A_8] : memref<26x100000x32xf32, #tpu.memory_space<hbm>> -> memref<1x100000x32xf32, #tpu.memory_space<hbm>>
    %dma_start3A_10 = tpu.memref_squeeze %dma_start3A_9 : memref<1x100000x32xf32, #tpu.memory_space<hbm>> -> memref<100000x32xf32, #tpu.memory_space<hbm>>
    %dma_start3A_11 = arith.constant 0 : i32
    %dma_start3A_12 = arith.constant 0 : i32
    %dma_start3A_13 = tpu.memref_slice %dma_start3A_10[%dma_start3A_11, %dma_start3A_12] : memref<100000x32xf32, #tpu.memory_space<hbm>> -> memref<100000x32xf32, #tpu.memory_space<hbm>>
    tpu.enqueue_indirect_dma source(%dma_start3A_13 : memref<100000x32xf32, #tpu.memory_space<hbm>>) target(%arg6 : memref<128x32xf32, #tpu.memory_space<vmem>>) offsets(%dma_start3A_6 : memref<128xi32, #tpu.memory_space<vmem>>) semaphore(%arg8 : memref<!tpu.dma_semaphore, #tpu.memory_space<semaphore_mem>>)
    %dma_start3A_14 = arith.constant 1 : i32
    %dma_start3A_15 = arith.constant 1 : i32
    %dma_start3A_16 = arith.constant 0 : i32
    %dma_start3A_17 = tpu.memref_slice %arg5[%dma_start3A_15, %dma_start3A_16] : memref<26x128xi32, #tpu.memory_space<vmem>> -> memref<1x128xi32, #tpu.memory_space<vmem>>
    %dma_start3A_18 = tpu.memref_squeeze %dma_start3A_17 : memref<1x128xi32, #tpu.memory_space<vmem>> -> memref<128xi32, #tpu.memory_space<vmem>>
    %dma_start3A_19 = arith.constant 0 : i32
    %dma_start3A_20 = arith.constant 0 : i32
    %dma_start3A_21 = tpu.memref_slice %arg2[%dma_start3A_14, %dma_start3A_19, %dma_start3A_20] : memref<26x100000x32xf32, #tpu.memory_space<hbm>> -> memref<1x100000x32xf32, #tpu.memory_space<hbm>>
    %dma_start3A_22 = tpu.memref_squeeze %dma_start3A_21 : memref<1x100000x32xf32, #tpu.memory_space<hbm>> -> memref<100000x32xf32, #tpu.memory_space<hbm>>
    %dma_start3A_23 = arith.constant 0 : i32
    %dma_start3A_24 = arith.constant 0 : i32
    %dma_start3A_25 = tpu.memref_slice %dma_start3A_22[%dma_start3A_23, %dma_start3A_24] : memref<100000x32xf32, #tpu.memory_space<hbm>> -> memref<100000x32xf32, #tpu.memory_space<hbm>>
    tpu.enqueue_indirect_dma source(%dma_start3A_25 : memref<100000x32xf32, #tpu.memory_space<hbm>>) target(%arg7 : memref<128x32xf32, #tpu.memory_space<vmem>>) offsets(%dma_start3A_18 : memref<128xi32, #tpu.memory_space<vmem>>) semaphore(%arg9 : memref<!tpu.dma_semaphore, #tpu.memory_space<semaphore_mem>>)
    %dma_wait3A = arith.constant 0 : i32
    %dma_wait3A_26 = arith.constant 0 : i32
    %dma_wait3A_27 = arith.constant 0 : i32
    %dma_wait3A_28 = tpu.memref_slice %arg5[%dma_wait3A_26, %dma_wait3A_27] : memref<26x128xi32, #tpu.memory_space<vmem>> -> memref<1x128xi32, #tpu.memory_space<vmem>>
    %dma_wait3A_29 = tpu.memref_squeeze %dma_wait3A_28 : memref<1x128xi32, #tpu.memory_space<vmem>> -> memref<128xi32, #tpu.memory_space<vmem>>
    %dma_wait3A_30 = arith.constant 0 : i32
    %dma_wait3A_31 = arith.constant 0 : i32
    %dma_wait3A_32 = tpu.memref_slice %arg2[%dma_wait3A, %dma_wait3A_30, %dma_wait3A_31] : memref<26x100000x32xf32, #tpu.memory_space<hbm>> -> memref<1x100000x32xf32, #tpu.memory_space<hbm>>
    %dma_wait3A_33 = tpu.memref_squeeze %dma_wait3A_32 : memref<1x100000x32xf32, #tpu.memory_space<hbm>> -> memref<100000x32xf32, #tpu.memory_space<hbm>>
    %dma_wait3A_34 = arith.constant 0 : i32
    %dma_wait3A_35 = arith.constant 0 : i32
    %dma_wait3A_36 = tpu.memref_slice %dma_wait3A_33[%dma_wait3A_34, %dma_wait3A_35] : memref<100000x32xf32, #tpu.memory_space<hbm>> -> memref<100000x32xf32, #tpu.memory_space<hbm>>
    tpu.wait_indirect_dma semaphore(%arg8 : memref<!tpu.dma_semaphore, #tpu.memory_space<semaphore_mem>>) src(%dma_wait3A_36 : memref<100000x32xf32, #tpu.memory_space<hbm>>) dst(%arg6 : memref<128x32xf32, #tpu.memory_space<vmem>>)
    %dma_start3A_37 = arith.constant 0 : i32
    %dma_start3A_38 = tpu.memref_slice %arg4[%mul3A_2, %dma_start3A_37] : memref<4096x832xf32, #tpu.memory_space<hbm>> -> memref<128x32xf32, #tpu.memory_space<hbm>>
    %dma_start3A_39 = arith.constant 0 : i32
    %dma_start3A_40 = tpu.memref_slice %arg4[%mul3A_2, %dma_start3A_39] : memref<4096x832xf32, #tpu.memory_space<hbm>> -> memref<128x32xf32, #tpu.memory_space<hbm>>
    tpu.enqueue_dma source(%arg6 : memref<128x32xf32, #tpu.memory_space<vmem>>) target(%dma_start3A_40 : memref<128x32xf32, #tpu.memory_space<hbm>>) target_semaphore(%arg10 : memref<!tpu.dma_semaphore, #tpu.memory_space<semaphore_mem>>)
    %dma_wait3A_41 = arith.constant 0 : i32
    %dma_wait3A_42 = tpu.memref_slice %arg4[%mul3A_2, %dma_wait3A_41] : memref<4096x832xf32, #tpu.memory_space<hbm>> -> memref<128x32xf32, #tpu.memory_space<hbm>>
    %dma_wait3A_43 = arith.constant 0 : i32
    %dma_wait3A_44 = tpu.memref_slice %arg4[%mul3A_2, %dma_wait3A_43] : memref<4096x832xf32, #tpu.memory_space<hbm>> -> memref<128x32xf32, #tpu.memory_space<hbm>>
    tpu.wait_dma2 semaphore(%arg10 : memref<!tpu.dma_semaphore, #tpu.memory_space<semaphore_mem>>) src(%arg6 : memref<128x32xf32, #tpu.memory_space<vmem>>) dst(%dma_wait3A_44 : memref<128x32xf32, #tpu.memory_space<hbm>>)
    %dma_start3A_45 = arith.constant 2 : i32
    %dma_start3A_46 = arith.constant 2 : i32
    %dma_start3A_47 = arith.constant 0 : i32
    %dma_start3A_48 = tpu.memref_slice %arg5[%dma_start3A_46, %dma_start3A_47] : memref<26x128xi32, #tpu.memory_space<vmem>> -> memref<1x128xi32, #tpu.memory_space<vmem>>
    %dma_start3A_49 = tpu.memref_squeeze %dma_start3A_48 : memref<1x128xi32, #tpu.memory_space<vmem>> -> memref<128xi32, #tpu.memory_space<vmem>>
    %dma_start3A_50 = arith.constant 0 : i32
    %dma_start3A_51 = arith.constant 0 : i32
    %dma_start3A_52 = tpu.memref_slice %arg2[%dma_start3A_45, %dma_start3A_50, %dma_start3A_51] : memref<26x100000x32xf32, #tpu.memory_space<hbm>> -> memref<1x100000x32xf32, #tpu.memory_space<hbm>>
    %dma_start3A_53 = tpu.memref_squeeze %dma_start3A_52 : memref<1x100000x32xf32, #tpu.memory_space<hbm>> -> memref<100000x32xf32, #tpu.memory_space<hbm>>
    %dma_start3A_54 = arith.constant 0 : i32
    %dma_start3A_55 = arith.constant 0 : i32
    %dma_start3A_56 = tpu.memref_slice %dma_start3A_53[%dma_start3A_54, %dma_start3A_55] : memref<100000x32xf32, #tpu.memory_space<hbm>> -> memref<100000x32xf32, #tpu.memory_space<hbm>>
    tpu.enqueue_indirect_dma source(%dma_start3A_56 : memref<100000x32xf32, #tpu.memory_space<hbm>>) target(%arg6 : memref<128x32xf32, #tpu.memory_space<vmem>>) offsets(%dma_start3A_49 : memref<128xi32, #tpu.memory_space<vmem>>) semaphore(%arg8 : memref<!tpu.dma_semaphore, #tpu.memory_space<semaphore_mem>>)
    %dma_wait3A_57 = arith.constant 1 : i32
    %dma_wait3A_58 = arith.constant 1 : i32
    %dma_wait3A_59 = arith.constant 0 : i32
    %dma_wait3A_60 = tpu.memref_slice %arg5[%dma_wait3A_58, %dma_wait3A_59] : memref<26x128xi32, #tpu.memory_space<vmem>> -> memref<1x128xi32, #tpu.memory_space<vmem>>
    %dma_wait3A_61 = tpu.memref_squeeze %dma_wait3A_60 : memref<1x128xi32, #tpu.memory_space<vmem>> -> memref<128xi32, #tpu.memory_space<vmem>>
    %dma_wait3A_62 = arith.constant 0 : i32
    %dma_wait3A_63 = arith.constant 0 : i32
    %dma_wait3A_64 = tpu.memref_slice %arg2[%dma_wait3A_57, %dma_wait3A_62, %dma_wait3A_63] : memref<26x100000x32xf32, #tpu.memory_space<hbm>> -> memref<1x100000x32xf32, #tpu.memory_space<hbm>>
    %dma_wait3A_65 = tpu.memref_squeeze %dma_wait3A_64 : memref<1x100000x32xf32, #tpu.memory_space<hbm>> -> memref<100000x32xf32, #tpu.memory_space<hbm>>
    %dma_wait3A_66 = arith.constant 0 : i32
    %dma_wait3A_67 = arith.constant 0 : i32
    %dma_wait3A_68 = tpu.memref_slice %dma_wait3A_65[%dma_wait3A_66, %dma_wait3A_67] : memref<100000x32xf32, #tpu.memory_space<hbm>> -> memref<100000x32xf32, #tpu.memory_space<hbm>>
    tpu.wait_indirect_dma semaphore(%arg9 : memref<!tpu.dma_semaphore, #tpu.memory_space<semaphore_mem>>) src(%dma_wait3A_68 : memref<100000x32xf32, #tpu.memory_space<hbm>>) dst(%arg7 : memref<128x32xf32, #tpu.memory_space<vmem>>)
    %dma_start3A_69 = arith.constant 32 : i32
    %dma_start3A_70 = tpu.memref_slice %arg4[%mul3A_2, %dma_start3A_69] : memref<4096x832xf32, #tpu.memory_space<hbm>> -> memref<128x32xf32, #tpu.memory_space<hbm>>
    %dma_start3A_71 = arith.constant 32 : i32
    %dma_start3A_72 = tpu.memref_slice %arg4[%mul3A_2, %dma_start3A_71] : memref<4096x832xf32, #tpu.memory_space<hbm>> -> memref<128x32xf32, #tpu.memory_space<hbm>>
    tpu.enqueue_dma source(%arg7 : memref<128x32xf32, #tpu.memory_space<vmem>>) target(%dma_start3A_72 : memref<128x32xf32, #tpu.memory_space<hbm>>) target_semaphore(%arg11 : memref<!tpu.dma_semaphore, #tpu.memory_space<semaphore_mem>>)
    %dma_wait3A_73 = arith.constant 32 : i32
    %dma_wait3A_74 = tpu.memref_slice %arg4[%mul3A_2, %dma_wait3A_73] : memref<4096x832xf32, #tpu.memory_space<hbm>> -> memref<128x32xf32, #tpu.memory_space<hbm>>
    %dma_wait3A_75 = arith.constant 32 : i32
    %dma_wait3A_76 = tpu.memref_slice %arg4[%mul3A_2, %dma_wait3A_75] : memref<4096x832xf32, #tpu.memory_space<hbm>> -> memref<128x32xf32, #tpu.memory_space<hbm>>
    tpu.wait_dma2 semaphore(%arg11 : memref<!tpu.dma_semaphore, #tpu.memory_space<semaphore_mem>>) src(%arg7 : memref<128x32xf32, #tpu.memory_space<vmem>>) dst(%dma_wait3A_76 : memref<128x32xf32, #tpu.memory_space<hbm>>)
    %dma_start3A_77 = arith.constant 3 : i32
    %dma_start3A_78 = arith.constant 3 : i32
    %dma_start3A_79 = arith.constant 0 : i32
    %dma_start3A_80 = tpu.memref_slice %arg5[%dma_start3A_78, %dma_start3A_79] : memref<26x128xi32, #tpu.memory_space<vmem>> -> memref<1x128xi32, #tpu.memory_space<vmem>>
    %dma_start3A_81 = tpu.memref_squeeze %dma_start3A_80 : memref<1x128xi32, #tpu.memory_space<vmem>> -> memref<128xi32, #tpu.memory_space<vmem>>
    %dma_start3A_82 = arith.constant 0 : i32
    %dma_start3A_83 = arith.constant 0 : i32
    %dma_start3A_84 = tpu.memref_slice %arg2[%dma_start3A_77, %dma_start3A_82, %dma_start3A_83] : memref<26x100000x32xf32, #tpu.memory_space<hbm>> -> memref<1x100000x32xf32, #tpu.memory_space<hbm>>
    %dma_start3A_85 = tpu.memref_squeeze %dma_start3A_84 : memref<1x100000x32xf32, #tpu.memory_space<hbm>> -> memref<100000x32xf32, #tpu.memory_space<hbm>>
    %dma_start3A_86 = arith.constant 0 : i32
    %dma_start3A_87 = arith.constant 0 : i32
    %dma_start3A_88 = tpu.memref_slice %dma_start3A_85[%dma_start3A_86, %dma_start3A_87] : memref<100000x32xf32, #tpu.memory_space<hbm>> -> memref<100000x32xf32, #tpu.memory_space<hbm>>
    tpu.enqueue_indirect_dma source(%dma_start3A_88 : memref<100000x32xf32, #tpu.memory_space<hbm>>) target(%arg7 : memref<128x32xf32, #tpu.memory_space<vmem>>) offsets(%dma_start3A_81 : memref<128xi32, #tpu.memory_space<vmem>>) semaphore(%arg9 : memref<!tpu.dma_semaphore, #tpu.memory_space<semaphore_mem>>)
    %dma_wait3A_89 = arith.constant 2 : i32
    %dma_wait3A_90 = arith.constant 2 : i32
    %dma_wait3A_91 = arith.constant 0 : i32
    %dma_wait3A_92 = tpu.memref_slice %arg5[%dma_wait3A_90, %dma_wait3A_91] : memref<26x128xi32, #tpu.memory_space<vmem>> -> memref<1x128xi32, #tpu.memory_space<vmem>>
    %dma_wait3A_93 = tpu.memref_squeeze %dma_wait3A_92 : memref<1x128xi32, #tpu.memory_space<vmem>> -> memref<128xi32, #tpu.memory_space<vmem>>
    %dma_wait3A_94 = arith.constant 0 : i32
    %dma_wait3A_95 = arith.constant 0 : i32
    %dma_wait3A_96 = tpu.memref_slice %arg2[%dma_wait3A_89, %dma_wait3A_94, %dma_wait3A_95] : memref<26x100000x32xf32, #tpu.memory_space<hbm>> -> memref<1x100000x32xf32, #tpu.memory_space<hbm>>
    %dma_wait3A_97 = tpu.memref_squeeze %dma_wait3A_96 : memref<1x100000x32xf32, #tpu.memory_space<hbm>> -> memref<100000x32xf32, #tpu.memory_space<hbm>>
    %dma_wait3A_98 = arith.constant 0 : i32
    %dma_wait3A_99 = arith.constant 0 : i32
    %dma_wait3A_100 = tpu.memref_slice %dma_wait3A_97[%dma_wait3A_98, %dma_wait3A_99] : memref<100000x32xf32, #tpu.memory_space<hbm>> -> memref<100000x32xf32, #tpu.memory_space<hbm>>
    tpu.wait_indirect_dma semaphore(%arg8 : memref<!tpu.dma_semaphore, #tpu.memory_space<semaphore_mem>>) src(%dma_wait3A_100 : memref<100000x32xf32, #tpu.memory_space<hbm>>) dst(%arg6 : memref<128x32xf32, #tpu.memory_space<vmem>>)
    %dma_start3A_101 = arith.constant 64 : i32
    %dma_start3A_102 = tpu.memref_slice %arg4[%mul3A_2, %dma_start3A_101] : memref<4096x832xf32, #tpu.memory_space<hbm>> -> memref<128x32xf32, #tpu.memory_space<hbm>>
    %dma_start3A_103 = arith.constant 64 : i32
    %dma_start3A_104 = tpu.memref_slice %arg4[%mul3A_2, %dma_start3A_103] : memref<4096x832xf32, #tpu.memory_space<hbm>> -> memref<128x32xf32, #tpu.memory_space<hbm>>
    tpu.enqueue_dma source(%arg6 : memref<128x32xf32, #tpu.memory_space<vmem>>) target(%dma_start3A_104 : memref<128x32xf32, #tpu.memory_space<hbm>>) target_semaphore(%arg10 : memref<!tpu.dma_semaphore, #tpu.memory_space<semaphore_mem>>)
    %dma_wait3A_105 = arith.constant 64 : i32
    %dma_wait3A_106 = tpu.memref_slice %arg4[%mul3A_2, %dma_wait3A_105] : memref<4096x832xf32, #tpu.memory_space<hbm>> -> memref<128x32xf32, #tpu.memory_space<hbm>>
    %dma_wait3A_107 = arith.constant 64 : i32
    %dma_wait3A_108 = tpu.memref_slice %arg4[%mul3A_2, %dma_wait3A_107] : memref<4096x832xf32, #tpu.memory_space<hbm>> -> memref<128x32xf32, #tpu.memory_space<hbm>>
    tpu.wait_dma2 semaphore(%arg10 : memref<!tpu.dma_semaphore, #tpu.memory_space<semaphore_mem>>) src(%arg6 : memref<128x32xf32, #tpu.memory_space<vmem>>) dst(%dma_wait3A_108 : memref<128x32xf32, #tpu.memory_space<hbm>>)
    %dma_start3A_109 = arith.constant 4 : i32
    %dma_start3A_110 = arith.constant 4 : i32
    %dma_start3A_111 = arith.constant 0 : i32
    %dma_start3A_112 = tpu.memref_slice %arg5[%dma_start3A_110, %dma_start3A_111] : memref<26x128xi32, #tpu.memory_space<vmem>> -> memref<1x128xi32, #tpu.memory_space<vmem>>
    %dma_start3A_113 = tpu.memref_squeeze %dma_start3A_112 : memref<1x128xi32, #tpu.memory_space<vmem>> -> memref<128xi32, #tpu.memory_space<vmem>>
    %dma_start3A_114 = arith.constant 0 : i32
    %dma_start3A_115 = arith.constant 0 : i32
    %dma_start3A_116 = tpu.memref_slice %arg2[%dma_start3A_109, %dma_start3A_114, %dma_start3A_115] : memref<26x100000x32xf32, #tpu.memory_space<hbm>> -> memref<1x100000x32xf32, #tpu.memory_space<hbm>>
    %dma_start3A_117 = tpu.memref_squeeze %dma_start3A_116 : memref<1x100000x32xf32, #tpu.memory_space<hbm>> -> memref<100000x32xf32, #tpu.memory_space<hbm>>
    %dma_start3A_118 = arith.constant 0 : i32
    %dma_start3A_119 = arith.constant 0 : i32
    %dma_start3A_120 = tpu.memref_slice %dma_start3A_117[%dma_start3A_118, %dma_start3A_119] : memref<100000x32xf32, #tpu.memory_space<hbm>> -> memref<100000x32xf32, #tpu.memory_space<hbm>>
    tpu.enqueue_indirect_dma source(%dma_start3A_120 : memref<100000x32xf32, #tpu.memory_space<hbm>>) target(%arg6 : memref<128x32xf32, #tpu.memory_space<vmem>>) offsets(%dma_start3A_113 : memref<128xi32, #tpu.memory_space<vmem>>) semaphore(%arg8 : memref<!tpu.dma_semaphore, #tpu.memory_space<semaphore_mem>>)
    %dma_wait3A_121 = arith.constant 3 : i32
    %dma_wait3A_122 = arith.constant 3 : i32
    %dma_wait3A_123 = arith.constant 0 : i32
    %dma_wait3A_124 = tpu.memref_slice %arg5[%dma_wait3A_122, %dma_wait3A_123] : memref<26x128xi32, #tpu.memory_space<vmem>> -> memref<1x128xi32, #tpu.memory_space<vmem>>
    %dma_wait3A_125 = tpu.memref_squeeze %dma_wait3A_124 : memref<1x128xi32, #tpu.memory_space<vmem>> -> memref<128xi32, #tpu.memory_space<vmem>>
    %dma_wait3A_126 = arith.constant 0 : i32
    %dma_wait3A_127 = arith.constant 0 : i32
    %dma_wait3A_128 = tpu.memref_slice %arg2[%dma_wait3A_121, %dma_wait3A_126, %dma_wait3A_127] : memref<26x100000x32xf32, #tpu.memory_space<hbm>> -> memref<1x100000x32xf32, #tpu.memory_space<hbm>>
    %dma_wait3A_129 = tpu.memref_squeeze %dma_wait3A_128 : memref<1x100000x32xf32, #tpu.memory_space<hbm>> -> memref<100000x32xf32, #tpu.memory_space<hbm>>
    %dma_wait3A_130 = arith.constant 0 : i32
    %dma_wait3A_131 = arith.constant 0 : i32
    %dma_wait3A_132 = tpu.memref_slice %dma_wait3A_129[%dma_wait3A_130, %dma_wait3A_131] : memref<100000x32xf32, #tpu.memory_space<hbm>> -> memref<100000x32xf32, #tpu.memory_space<hbm>>
    tpu.wait_indirect_dma semaphore(%arg9 : memref<!tpu.dma_semaphore, #tpu.memory_space<semaphore_mem>>) src(%dma_wait3A_132 : memref<100000x32xf32, #tpu.memory_space<hbm>>) dst(%arg7 : memref<128x32xf32, #tpu.memory_space<vmem>>)
    %dma_start3A_133 = arith.constant 96 : i32
    %dma_start3A_134 = tpu.memref_slice %arg4[%mul3A_2, %dma_start3A_133] : memref<4096x832xf32, #tpu.memory_space<hbm>> -> memref<128x32xf32, #tpu.memory_space<hbm>>
    %dma_start3A_135 = arith.constant 96 : i32
    %dma_start3A_136 = tpu.memref_slice %arg4[%mul3A_2, %dma_start3A_135] : memref<4096x832xf32, #tpu.memory_space<hbm>> -> memref<128x32xf32, #tpu.memory_space<hbm>>
    tpu.enqueue_dma source(%arg7 : memref<128x32xf32, #tpu.memory_space<vmem>>) target(%dma_start3A_136 : memref<128x32xf32, #tpu.memory_space<hbm>>) target_semaphore(%arg11 : memref<!tpu.dma_semaphore, #tpu.memory_space<semaphore_mem>>)
    %dma_wait3A_137 = arith.constant 96 : i32
    %dma_wait3A_138 = tpu.memref_slice %arg4[%mul3A_2, %dma_wait3A_137] : memref<4096x832xf32, #tpu.memory_space<hbm>> -> memref<128x32xf32, #tpu.memory_space<hbm>>
    %dma_wait3A_139 = arith.constant 96 : i32
    %dma_wait3A_140 = tpu.memref_slice %arg4[%mul3A_2, %dma_wait3A_139] : memref<4096x832xf32, #tpu.memory_space<hbm>> -> memref<128x32xf32, #tpu.memory_space<hbm>>
    tpu.wait_dma2 semaphore(%arg11 : memref<!tpu.dma_semaphore, #tpu.memory_space<semaphore_mem>>) src(%arg7 : memref<128x32xf32, #tpu.memory_space<vmem>>) dst(%dma_wait3A_140 : memref<128x32xf32, #tpu.memory_space<hbm>>)
    %dma_start3A_141 = arith.constant 5 : i32
    %dma_start3A_142 = arith.constant 5 : i32
    %dma_start3A_143 = arith.constant 0 : i32
    %dma_start3A_144 = tpu.memref_slice %arg5[%dma_start3A_142, %dma_start3A_143] : memref<26x128xi32, #tpu.memory_space<vmem>> -> memref<1x128xi32, #tpu.memory_space<vmem>>
    %dma_start3A_145 = tpu.memref_squeeze %dma_start3A_144 : memref<1x128xi32, #tpu.memory_space<vmem>> -> memref<128xi32, #tpu.memory_space<vmem>>
    %dma_start3A_146 = arith.constant 0 : i32
    %dma_start3A_147 = arith.constant 0 : i32
    %dma_start3A_148 = tpu.memref_slice %arg2[%dma_start3A_141, %dma_start3A_146, %dma_start3A_147] : memref<26x100000x32xf32, #tpu.memory_space<hbm>> -> memref<1x100000x32xf32, #tpu.memory_space<hbm>>
    %dma_start3A_149 = tpu.memref_squeeze %dma_start3A_148 : memref<1x100000x32xf32, #tpu.memory_space<hbm>> -> memref<100000x32xf32, #tpu.memory_space<hbm>>
    %dma_start3A_150 = arith.constant 0 : i32
    %dma_start3A_151 = arith.constant 0 : i32
    %dma_start3A_152 = tpu.memref_slice %dma_start3A_149[%dma_start3A_150, %dma_start3A_151] : memref<100000x32xf32, #tpu.memory_space<hbm>> -> memref<100000x32xf32, #tpu.memory_space<hbm>>
    tpu.enqueue_indirect_dma source(%dma_start3A_152 : memref<100000x32xf32, #tpu.memory_space<hbm>>) target(%arg7 : memref<128x32xf32, #tpu.memory_space<vmem>>) offsets(%dma_start3A_145 : memref<128xi32, #tpu.memory_space<vmem>>) semaphore(%arg9 : memref<!tpu.dma_semaphore, #tpu.memory_space<semaphore_mem>>)
    %dma_wait3A_153 = arith.constant 4 : i32
    %dma_wait3A_154 = arith.constant 4 : i32
    %dma_wait3A_155 = arith.constant 0 : i32
    %dma_wait3A_156 = tpu.memref_slice %arg5[%dma_wait3A_154, %dma_wait3A_155] : memref<26x128xi32, #tpu.memory_space<vmem>> -> memref<1x128xi32, #tpu.memory_space<vmem>>
    %dma_wait3A_157 = tpu.memref_squeeze %dma_wait3A_156 : memref<1x128xi32, #tpu.memory_space<vmem>> -> memref<128xi32, #tpu.memory_space<vmem>>
    %dma_wait3A_158 = arith.constant 0 : i32
    %dma_wait3A_159 = arith.constant 0 : i32
    %dma_wait3A_160 = tpu.memref_slice %arg2[%dma_wait3A_153, %dma_wait3A_158, %dma_wait3A_159] : memref<26x100000x32xf32, #tpu.memory_space<hbm>> -> memref<1x100000x32xf32, #tpu.memory_space<hbm>>
    %dma_wait3A_161 = tpu.memref_squeeze %dma_wait3A_160 : memref<1x100000x32xf32, #tpu.memory_space<hbm>> -> memref<100000x32xf32, #tpu.memory_space<hbm>>
    %dma_wait3A_162 = arith.constant 0 : i32
    %dma_wait3A_163 = arith.constant 0 : i32
    %dma_wait3A_164 = tpu.memref_slice %dma_wait3A_161[%dma_wait3A_162, %dma_wait3A_163] : memref<100000x32xf32, #tpu.memory_space<hbm>> -> memref<100000x32xf32, #tpu.memory_space<hbm>>
    tpu.wait_indirect_dma semaphore(%arg8 : memref<!tpu.dma_semaphore, #tpu.memory_space<semaphore_mem>>) src(%dma_wait3A_164 : memref<100000x32xf32, #tpu.memory_space<hbm>>) dst(%arg6 : memref<128x32xf32, #tpu.memory_space<vmem>>)
    %dma_start3A_165 = arith.constant 128 : i32
    %dma_start3A_166 = tpu.memref_slice %arg4[%mul3A_2, %dma_start3A_165] : memref<4096x832xf32, #tpu.memory_space<hbm>> -> memref<128x32xf32, #tpu.memory_space<hbm>>
    %dma_start3A_167 = arith.constant 128 : i32
    %dma_start3A_168 = tpu.memref_slice %arg4[%mul3A_2, %dma_start3A_167] : memref<4096x832xf32, #tpu.memory_space<hbm>> -> memref<128x32xf32, #tpu.memory_space<hbm>>
    tpu.enqueue_dma source(%arg6 : memref<128x32xf32, #tpu.memory_space<vmem>>) target(%dma_start3A_168 : memref<128x32xf32, #tpu.memory_space<hbm>>) target_semaphore(%arg10 : memref<!tpu.dma_semaphore, #tpu.memory_space<semaphore_mem>>)
    %dma_wait3A_169 = arith.constant 128 : i32
    %dma_wait3A_170 = tpu.memref_slice %arg4[%mul3A_2, %dma_wait3A_169] : memref<4096x832xf32, #tpu.memory_space<hbm>> -> memref<128x32xf32, #tpu.memory_space<hbm>>
    %dma_wait3A_171 = arith.constant 128 : i32
    %dma_wait3A_172 = tpu.memref_slice %arg4[%mul3A_2, %dma_wait3A_171] : memref<4096x832xf32, #tpu.memory_space<hbm>> -> memref<128x32xf32, #tpu.memory_space<hbm>>
    tpu.wait_dma2 semaphore(%arg10 : memref<!tpu.dma_semaphore, #tpu.memory_space<semaphore_mem>>) src(%arg6 : memref<128x32xf32, #tpu.memory_space<vmem>>) dst(%dma_wait3A_172 : memref<128x32xf32, #tpu.memory_space<hbm>>)
    %dma_start3A_173 = arith.constant 6 : i32
    %dma_start3A_174 = arith.constant 6 : i32
    %dma_start3A_175 = arith.constant 0 : i32
    %dma_start3A_176 = tpu.memref_slice %arg5[%dma_start3A_174, %dma_start3A_175] : memref<26x128xi32, #tpu.memory_space<vmem>> -> memref<1x128xi32, #tpu.memory_space<vmem>>
    %dma_start3A_177 = tpu.memref_squeeze %dma_start3A_176 : memref<1x128xi32, #tpu.memory_space<vmem>> -> memref<128xi32, #tpu.memory_space<vmem>>
    %dma_start3A_178 = arith.constant 0 : i32
    %dma_start3A_179 = arith.constant 0 : i32
    %dma_start3A_180 = tpu.memref_slice %arg2[%dma_start3A_173, %dma_start3A_178, %dma_start3A_179] : memref<26x100000x32xf32, #tpu.memory_space<hbm>> -> memref<1x100000x32xf32, #tpu.memory_space<hbm>>
    %dma_start3A_181 = tpu.memref_squeeze %dma_start3A_180 : memref<1x100000x32xf32, #tpu.memory_space<hbm>> -> memref<100000x32xf32, #tpu.memory_space<hbm>>
    %dma_start3A_182 = arith.constant 0 : i32
    %dma_start3A_183 = arith.constant 0 : i32
    %dma_start3A_184 = tpu.memref_slice %dma_start3A_181[%dma_start3A_182, %dma_start3A_183] : memref<100000x32xf32, #tpu.memory_space<hbm>> -> memref<100000x32xf32, #tpu.memory_space<hbm>>
    tpu.enqueue_indirect_dma source(%dma_start3A_184 : memref<100000x32xf32, #tpu.memory_space<hbm>>) target(%arg6 : memref<128x32xf32, #tpu.memory_space<vmem>>) offsets(%dma_start3A_177 : memref<128xi32, #tpu.memory_space<vmem>>) semaphore(%arg8 : memref<!tpu.dma_semaphore, #tpu.memory_space<semaphore_mem>>)
    %dma_wait3A_185 = arith.constant 5 : i32
    %dma_wait3A_186 = arith.constant 5 : i32
    %dma_wait3A_187 = arith.constant 0 : i32
    %dma_wait3A_188 = tpu.memref_slice %arg5[%dma_wait3A_186, %dma_wait3A_187] : memref<26x128xi32, #tpu.memory_space<vmem>> -> memref<1x128xi32, #tpu.memory_space<vmem>>
    %dma_wait3A_189 = tpu.memref_squeeze %dma_wait3A_188 : memref<1x128xi32, #tpu.memory_space<vmem>> -> memref<128xi32, #tpu.memory_space<vmem>>
    %dma_wait3A_190 = arith.constant 0 : i32
    %dma_wait3A_191 = arith.constant 0 : i32
    %dma_wait3A_192 = tpu.memref_slice %arg2[%dma_wait3A_185, %dma_wait3A_190, %dma_wait3A_191] : memref<26x100000x32xf32, #tpu.memory_space<hbm>> -> memref<1x100000x32xf32, #tpu.memory_space<hbm>>
    %dma_wait3A_193 = tpu.memref_squeeze %dma_wait3A_192 : memref<1x100000x32xf32, #tpu.memory_space<hbm>> -> memref<100000x32xf32, #tpu.memory_space<hbm>>
    %dma_wait3A_194 = arith.constant 0 : i32
    %dma_wait3A_195 = arith.constant 0 : i32
    %dma_wait3A_196 = tpu.memref_slice %dma_wait3A_193[%dma_wait3A_194, %dma_wait3A_195] : memref<100000x32xf32, #tpu.memory_space<hbm>> -> memref<100000x32xf32, #tpu.memory_space<hbm>>
    tpu.wait_indirect_dma semaphore(%arg9 : memref<!tpu.dma_semaphore, #tpu.memory_space<semaphore_mem>>) src(%dma_wait3A_196 : memref<100000x32xf32, #tpu.memory_space<hbm>>) dst(%arg7 : memref<128x32xf32, #tpu.memory_space<vmem>>)
    %dma_start3A_197 = arith.constant 160 : i32
    %dma_start3A_198 = tpu.memref_slice %arg4[%mul3A_2, %dma_start3A_197] : memref<4096x832xf32, #tpu.memory_space<hbm>> -> memref<128x32xf32, #tpu.memory_space<hbm>>
    %dma_start3A_199 = arith.constant 160 : i32
    %dma_start3A_200 = tpu.memref_slice %arg4[%mul3A_2, %dma_start3A_199] : memref<4096x832xf32, #tpu.memory_space<hbm>> -> memref<128x32xf32, #tpu.memory_space<hbm>>
    tpu.enqueue_dma source(%arg7 : memref<128x32xf32, #tpu.memory_space<vmem>>) target(%dma_start3A_200 : memref<128x32xf32, #tpu.memory_space<hbm>>) target_semaphore(%arg11 : memref<!tpu.dma_semaphore, #tpu.memory_space<semaphore_mem>>)
    %dma_wait3A_201 = arith.constant 160 : i32
    %dma_wait3A_202 = tpu.memref_slice %arg4[%mul3A_2, %dma_wait3A_201] : memref<4096x832xf32, #tpu.memory_space<hbm>> -> memref<128x32xf32, #tpu.memory_space<hbm>>
    %dma_wait3A_203 = arith.constant 160 : i32
    %dma_wait3A_204 = tpu.memref_slice %arg4[%mul3A_2, %dma_wait3A_203] : memref<4096x832xf32, #tpu.memory_space<hbm>> -> memref<128x32xf32, #tpu.memory_space<hbm>>
    tpu.wait_dma2 semaphore(%arg11 : memref<!tpu.dma_semaphore, #tpu.memory_space<semaphore_mem>>) src(%arg7 : memref<128x32xf32, #tpu.memory_space<vmem>>) dst(%dma_wait3A_204 : memref<128x32xf32, #tpu.memory_space<hbm>>)
    %dma_start3A_205 = arith.constant 7 : i32
    %dma_start3A_206 = arith.constant 7 : i32
    %dma_start3A_207 = arith.constant 0 : i32
    %dma_start3A_208 = tpu.memref_slice %arg5[%dma_start3A_206, %dma_start3A_207] : memref<26x128xi32, #tpu.memory_space<vmem>> -> memref<1x128xi32, #tpu.memory_space<vmem>>
    %dma_start3A_209 = tpu.memref_squeeze %dma_start3A_208 : memref<1x128xi32, #tpu.memory_space<vmem>> -> memref<128xi32, #tpu.memory_space<vmem>>
    %dma_start3A_210 = arith.constant 0 : i32
    %dma_start3A_211 = arith.constant 0 : i32
    %dma_start3A_212 = tpu.memref_slice %arg2[%dma_start3A_205, %dma_start3A_210, %dma_start3A_211] : memref<26x100000x32xf32, #tpu.memory_space<hbm>> -> memref<1x100000x32xf32, #tpu.memory_space<hbm>>
    %dma_start3A_213 = tpu.memref_squeeze %dma_start3A_212 : memref<1x100000x32xf32, #tpu.memory_space<hbm>> -> memref<100000x32xf32, #tpu.memory_space<hbm>>
    %dma_start3A_214 = arith.constant 0 : i32
    %dma_start3A_215 = arith.constant 0 : i32
    %dma_start3A_216 = tpu.memref_slice %dma_start3A_213[%dma_start3A_214, %dma_start3A_215] : memref<100000x32xf32, #tpu.memory_space<hbm>> -> memref<100000x32xf32, #tpu.memory_space<hbm>>
    tpu.enqueue_indirect_dma source(%dma_start3A_216 : memref<100000x32xf32, #tpu.memory_space<hbm>>) target(%arg7 : memref<128x32xf32, #tpu.memory_space<vmem>>) offsets(%dma_start3A_209 : memref<128xi32, #tpu.memory_space<vmem>>) semaphore(%arg9 : memref<!tpu.dma_semaphore, #tpu.memory_space<semaphore_mem>>)
    %dma_wait3A_217 = arith.constant 6 : i32
    %dma_wait3A_218 = arith.constant 6 : i32
    %dma_wait3A_219 = arith.constant 0 : i32
    %dma_wait3A_220 = tpu.memref_slice %arg5[%dma_wait3A_218, %dma_wait3A_219] : memref<26x128xi32, #tpu.memory_space<vmem>> -> memref<1x128xi32, #tpu.memory_space<vmem>>
    %dma_wait3A_221 = tpu.memref_squeeze %dma_wait3A_220 : memref<1x128xi32, #tpu.memory_space<vmem>> -> memref<128xi32, #tpu.memory_space<vmem>>
    %dma_wait3A_222 = arith.constant 0 : i32
    %dma_wait3A_223 = arith.constant 0 : i32
    %dma_wait3A_224 = tpu.memref_slice %arg2[%dma_wait3A_217, %dma_wait3A_222, %dma_wait3A_223] : memref<26x100000x32xf32, #tpu.memory_space<hbm>> -> memref<1x100000x32xf32, #tpu.memory_space<hbm>>
    %dma_wait3A_225 = tpu.memref_squeeze %dma_wait3A_224 : memref<1x100000x32xf32, #tpu.memory_space<hbm>> -> memref<100000x32xf32, #tpu.memory_space<hbm>>
    %dma_wait3A_226 = arith.constant 0 : i32
    %dma_wait3A_227 = arith.constant 0 : i32
    %dma_wait3A_228 = tpu.memref_slice %dma_wait3A_225[%dma_wait3A_226, %dma_wait3A_227] : memref<100000x32xf32, #tpu.memory_space<hbm>> -> memref<100000x32xf32, #tpu.memory_space<hbm>>
    tpu.wait_indirect_dma semaphore(%arg8 : memref<!tpu.dma_semaphore, #tpu.memory_space<semaphore_mem>>) src(%dma_wait3A_228 : memref<100000x32xf32, #tpu.memory_space<hbm>>) dst(%arg6 : memref<128x32xf32, #tpu.memory_space<vmem>>)
    %dma_start3A_229 = arith.constant 192 : i32
    %dma_start3A_230 = tpu.memref_slice %arg4[%mul3A_2, %dma_start3A_229] : memref<4096x832xf32, #tpu.memory_space<hbm>> -> memref<128x32xf32, #tpu.memory_space<hbm>>
    %dma_start3A_231 = arith.constant 192 : i32
    %dma_start3A_232 = tpu.memref_slice %arg4[%mul3A_2, %dma_start3A_231] : memref<4096x832xf32, #tpu.memory_space<hbm>> -> memref<128x32xf32, #tpu.memory_space<hbm>>
    tpu.enqueue_dma source(%arg6 : memref<128x32xf32, #tpu.memory_space<vmem>>) target(%dma_start3A_232 : memref<128x32xf32, #tpu.memory_space<hbm>>) target_semaphore(%arg10 : memref<!tpu.dma_semaphore, #tpu.memory_space<semaphore_mem>>)
    %dma_wait3A_233 = arith.constant 192 : i32
    %dma_wait3A_234 = tpu.memref_slice %arg4[%mul3A_2, %dma_wait3A_233] : memref<4096x832xf32, #tpu.memory_space<hbm>> -> memref<128x32xf32, #tpu.memory_space<hbm>>
    %dma_wait3A_235 = arith.constant 192 : i32
    %dma_wait3A_236 = tpu.memref_slice %arg4[%mul3A_2, %dma_wait3A_235] : memref<4096x832xf32, #tpu.memory_space<hbm>> -> memref<128x32xf32, #tpu.memory_space<hbm>>
    tpu.wait_dma2 semaphore(%arg10 : memref<!tpu.dma_semaphore, #tpu.memory_space<semaphore_mem>>) src(%arg6 : memref<128x32xf32, #tpu.memory_space<vmem>>) dst(%dma_wait3A_236 : memref<128x32xf32, #tpu.memory_space<hbm>>)
    %dma_start3A_237 = arith.constant 8 : i32
    %dma_start3A_238 = arith.constant 8 : i32
    %dma_start3A_239 = arith.constant 0 : i32
    %dma_start3A_240 = tpu.memref_slice %arg5[%dma_start3A_238, %dma_start3A_239] : memref<26x128xi32, #tpu.memory_space<vmem>> -> memref<1x128xi32, #tpu.memory_space<vmem>>
    %dma_start3A_241 = tpu.memref_squeeze %dma_start3A_240 : memref<1x128xi32, #tpu.memory_space<vmem>> -> memref<128xi32, #tpu.memory_space<vmem>>
    %dma_start3A_242 = arith.constant 0 : i32
    %dma_start3A_243 = arith.constant 0 : i32
    %dma_start3A_244 = tpu.memref_slice %arg2[%dma_start3A_237, %dma_start3A_242, %dma_start3A_243] : memref<26x100000x32xf32, #tpu.memory_space<hbm>> -> memref<1x100000x32xf32, #tpu.memory_space<hbm>>
    %dma_start3A_245 = tpu.memref_squeeze %dma_start3A_244 : memref<1x100000x32xf32, #tpu.memory_space<hbm>> -> memref<100000x32xf32, #tpu.memory_space<hbm>>
    %dma_start3A_246 = arith.constant 0 : i32
    %dma_start3A_247 = arith.constant 0 : i32
    %dma_start3A_248 = tpu.memref_slice %dma_start3A_245[%dma_start3A_246, %dma_start3A_247] : memref<100000x32xf32, #tpu.memory_space<hbm>> -> memref<100000x32xf32, #tpu.memory_space<hbm>>
    tpu.enqueue_indirect_dma source(%dma_start3A_248 : memref<100000x32xf32, #tpu.memory_space<hbm>>) target(%arg6 : memref<128x32xf32, #tpu.memory_space<vmem>>) offsets(%dma_start3A_241 : memref<128xi32, #tpu.memory_space<vmem>>) semaphore(%arg8 : memref<!tpu.dma_semaphore, #tpu.memory_space<semaphore_mem>>)
    %dma_wait3A_249 = arith.constant 7 : i32
    %dma_wait3A_250 = arith.constant 7 : i32
    %dma_wait3A_251 = arith.constant 0 : i32
    %dma_wait3A_252 = tpu.memref_slice %arg5[%dma_wait3A_250, %dma_wait3A_251] : memref<26x128xi32, #tpu.memory_space<vmem>> -> memref<1x128xi32, #tpu.memory_space<vmem>>
    %dma_wait3A_253 = tpu.memref_squeeze %dma_wait3A_252 : memref<1x128xi32, #tpu.memory_space<vmem>> -> memref<128xi32, #tpu.memory_space<vmem>>
    %dma_wait3A_254 = arith.constant 0 : i32
    %dma_wait3A_255 = arith.constant 0 : i32
    %dma_wait3A_256 = tpu.memref_slice %arg2[%dma_wait3A_249, %dma_wait3A_254, %dma_wait3A_255] : memref<26x100000x32xf32, #tpu.memory_space<hbm>> -> memref<1x100000x32xf32, #tpu.memory_space<hbm>>
    %dma_wait3A_257 = tpu.memref_squeeze %dma_wait3A_256 : memref<1x100000x32xf32, #tpu.memory_space<hbm>> -> memref<100000x32xf32, #tpu.memory_space<hbm>>
    %dma_wait3A_258 = arith.constant 0 : i32
    %dma_wait3A_259 = arith.constant 0 : i32
    %dma_wait3A_260 = tpu.memref_slice %dma_wait3A_257[%dma_wait3A_258, %dma_wait3A_259] : memref<100000x32xf32, #tpu.memory_space<hbm>> -> memref<100000x32xf32, #tpu.memory_space<hbm>>
    tpu.wait_indirect_dma semaphore(%arg9 : memref<!tpu.dma_semaphore, #tpu.memory_space<semaphore_mem>>) src(%dma_wait3A_260 : memref<100000x32xf32, #tpu.memory_space<hbm>>) dst(%arg7 : memref<128x32xf32, #tpu.memory_space<vmem>>)
    %dma_start3A_261 = arith.constant 224 : i32
    %dma_start3A_262 = tpu.memref_slice %arg4[%mul3A_2, %dma_start3A_261] : memref<4096x832xf32, #tpu.memory_space<hbm>> -> memref<128x32xf32, #tpu.memory_space<hbm>>
    %dma_start3A_263 = arith.constant 224 : i32
    %dma_start3A_264 = tpu.memref_slice %arg4[%mul3A_2, %dma_start3A_263] : memref<4096x832xf32, #tpu.memory_space<hbm>> -> memref<128x32xf32, #tpu.memory_space<hbm>>
    tpu.enqueue_dma source(%arg7 : memref<128x32xf32, #tpu.memory_space<vmem>>) target(%dma_start3A_264 : memref<128x32xf32, #tpu.memory_space<hbm>>) target_semaphore(%arg11 : memref<!tpu.dma_semaphore, #tpu.memory_space<semaphore_mem>>)
    %dma_wait3A_265 = arith.constant 224 : i32
    %dma_wait3A_266 = tpu.memref_slice %arg4[%mul3A_2, %dma_wait3A_265] : memref<4096x832xf32, #tpu.memory_space<hbm>> -> memref<128x32xf32, #tpu.memory_space<hbm>>
    %dma_wait3A_267 = arith.constant 224 : i32
    %dma_wait3A_268 = tpu.memref_slice %arg4[%mul3A_2, %dma_wait3A_267] : memref<4096x832xf32, #tpu.memory_space<hbm>> -> memref<128x32xf32, #tpu.memory_space<hbm>>
    tpu.wait_dma2 semaphore(%arg11 : memref<!tpu.dma_semaphore, #tpu.memory_space<semaphore_mem>>) src(%arg7 : memref<128x32xf32, #tpu.memory_space<vmem>>) dst(%dma_wait3A_268 : memref<128x32xf32, #tpu.memory_space<hbm>>)
    %dma_start3A_269 = arith.constant 9 : i32
    %dma_start3A_270 = arith.constant 9 : i32
    %dma_start3A_271 = arith.constant 0 : i32
    %dma_start3A_272 = tpu.memref_slice %arg5[%dma_start3A_270, %dma_start3A_271] : memref<26x128xi32, #tpu.memory_space<vmem>> -> memref<1x128xi32, #tpu.memory_space<vmem>>
    %dma_start3A_273 = tpu.memref_squeeze %dma_start3A_272 : memref<1x128xi32, #tpu.memory_space<vmem>> -> memref<128xi32, #tpu.memory_space<vmem>>
    %dma_start3A_274 = arith.constant 0 : i32
    %dma_start3A_275 = arith.constant 0 : i32
    %dma_start3A_276 = tpu.memref_slice %arg2[%dma_start3A_269, %dma_start3A_274, %dma_start3A_275] : memref<26x100000x32xf32, #tpu.memory_space<hbm>> -> memref<1x100000x32xf32, #tpu.memory_space<hbm>>
    %dma_start3A_277 = tpu.memref_squeeze %dma_start3A_276 : memref<1x100000x32xf32, #tpu.memory_space<hbm>> -> memref<100000x32xf32, #tpu.memory_space<hbm>>
    %dma_start3A_278 = arith.constant 0 : i32
    %dma_start3A_279 = arith.constant 0 : i32
    %dma_start3A_280 = tpu.memref_slice %dma_start3A_277[%dma_start3A_278, %dma_start3A_279] : memref<100000x32xf32, #tpu.memory_space<hbm>> -> memref<100000x32xf32, #tpu.memory_space<hbm>>
    tpu.enqueue_indirect_dma source(%dma_start3A_280 : memref<100000x32xf32, #tpu.memory_space<hbm>>) target(%arg7 : memref<128x32xf32, #tpu.memory_space<vmem>>) offsets(%dma_start3A_273 : memref<128xi32, #tpu.memory_space<vmem>>) semaphore(%arg9 : memref<!tpu.dma_semaphore, #tpu.memory_space<semaphore_mem>>)
    %dma_wait3A_281 = arith.constant 8 : i32
    %dma_wait3A_282 = arith.constant 8 : i32
    %dma_wait3A_283 = arith.constant 0 : i32
    %dma_wait3A_284 = tpu.memref_slice %arg5[%dma_wait3A_282, %dma_wait3A_283] : memref<26x128xi32, #tpu.memory_space<vmem>> -> memref<1x128xi32, #tpu.memory_space<vmem>>
    %dma_wait3A_285 = tpu.memref_squeeze %dma_wait3A_284 : memref<1x128xi32, #tpu.memory_space<vmem>> -> memref<128xi32, #tpu.memory_space<vmem>>
    %dma_wait3A_286 = arith.constant 0 : i32
    %dma_wait3A_287 = arith.constant 0 : i32
    %dma_wait3A_288 = tpu.memref_slice %arg2[%dma_wait3A_281, %dma_wait3A_286, %dma_wait3A_287] : memref<26x100000x32xf32, #tpu.memory_space<hbm>> -> memref<1x100000x32xf32, #tpu.memory_space<hbm>>
    %dma_wait3A_289 = tpu.memref_squeeze %dma_wait3A_288 : memref<1x100000x32xf32, #tpu.memory_space<hbm>> -> memref<100000x32xf32, #tpu.memory_space<hbm>>
    %dma_wait3A_290 = arith.constant 0 : i32
    %dma_wait3A_291 = arith.constant 0 : i32
    %dma_wait3A_292 = tpu.memref_slice %dma_wait3A_289[%dma_wait3A_290, %dma_wait3A_291] : memref<100000x32xf32, #tpu.memory_space<hbm>> -> memref<100000x32xf32, #tpu.memory_space<hbm>>
    tpu.wait_indirect_dma semaphore(%arg8 : memref<!tpu.dma_semaphore, #tpu.memory_space<semaphore_mem>>) src(%dma_wait3A_292 : memref<100000x32xf32, #tpu.memory_space<hbm>>) dst(%arg6 : memref<128x32xf32, #tpu.memory_space<vmem>>)
    %dma_start3A_293 = arith.constant 256 : i32
    %dma_start3A_294 = tpu.memref_slice %arg4[%mul3A_2, %dma_start3A_293] : memref<4096x832xf32, #tpu.memory_space<hbm>> -> memref<128x32xf32, #tpu.memory_space<hbm>>
    %dma_start3A_295 = arith.constant 256 : i32
    %dma_start3A_296 = tpu.memref_slice %arg4[%mul3A_2, %dma_start3A_295] : memref<4096x832xf32, #tpu.memory_space<hbm>> -> memref<128x32xf32, #tpu.memory_space<hbm>>
    tpu.enqueue_dma source(%arg6 : memref<128x32xf32, #tpu.memory_space<vmem>>) target(%dma_start3A_296 : memref<128x32xf32, #tpu.memory_space<hbm>>) target_semaphore(%arg10 : memref<!tpu.dma_semaphore, #tpu.memory_space<semaphore_mem>>)
    %dma_wait3A_297 = arith.constant 256 : i32
    %dma_wait3A_298 = tpu.memref_slice %arg4[%mul3A_2, %dma_wait3A_297] : memref<4096x832xf32, #tpu.memory_space<hbm>> -> memref<128x32xf32, #tpu.memory_space<hbm>>
    %dma_wait3A_299 = arith.constant 256 : i32
    %dma_wait3A_300 = tpu.memref_slice %arg4[%mul3A_2, %dma_wait3A_299] : memref<4096x832xf32, #tpu.memory_space<hbm>> -> memref<128x32xf32, #tpu.memory_space<hbm>>
    tpu.wait_dma2 semaphore(%arg10 : memref<!tpu.dma_semaphore, #tpu.memory_space<semaphore_mem>>) src(%arg6 : memref<128x32xf32, #tpu.memory_space<vmem>>) dst(%dma_wait3A_300 : memref<128x32xf32, #tpu.memory_space<hbm>>)
    %dma_start3A_301 = arith.constant 10 : i32
    %dma_start3A_302 = arith.constant 10 : i32
    %dma_start3A_303 = arith.constant 0 : i32
    %dma_start3A_304 = tpu.memref_slice %arg5[%dma_start3A_302, %dma_start3A_303] : memref<26x128xi32, #tpu.memory_space<vmem>> -> memref<1x128xi32, #tpu.memory_space<vmem>>
    %dma_start3A_305 = tpu.memref_squeeze %dma_start3A_304 : memref<1x128xi32, #tpu.memory_space<vmem>> -> memref<128xi32, #tpu.memory_space<vmem>>
    %dma_start3A_306 = arith.constant 0 : i32
    %dma_start3A_307 = arith.constant 0 : i32
    %dma_start3A_308 = tpu.memref_slice %arg2[%dma_start3A_301, %dma_start3A_306, %dma_start3A_307] : memref<26x100000x32xf32, #tpu.memory_space<hbm>> -> memref<1x100000x32xf32, #tpu.memory_space<hbm>>
    %dma_start3A_309 = tpu.memref_squeeze %dma_start3A_308 : memref<1x100000x32xf32, #tpu.memory_space<hbm>> -> memref<100000x32xf32, #tpu.memory_space<hbm>>
    %dma_start3A_310 = arith.constant 0 : i32
    %dma_start3A_311 = arith.constant 0 : i32
    %dma_start3A_312 = tpu.memref_slice %dma_start3A_309[%dma_start3A_310, %dma_start3A_311] : memref<100000x32xf32, #tpu.memory_space<hbm>> -> memref<100000x32xf32, #tpu.memory_space<hbm>>
    tpu.enqueue_indirect_dma source(%dma_start3A_312 : memref<100000x32xf32, #tpu.memory_space<hbm>>) target(%arg6 : memref<128x32xf32, #tpu.memory_space<vmem>>) offsets(%dma_start3A_305 : memref<128xi32, #tpu.memory_space<vmem>>) semaphore(%arg8 : memref<!tpu.dma_semaphore, #tpu.memory_space<semaphore_mem>>)
    %dma_wait3A_313 = arith.constant 9 : i32
    %dma_wait3A_314 = arith.constant 9 : i32
    %dma_wait3A_315 = arith.constant 0 : i32
    %dma_wait3A_316 = tpu.memref_slice %arg5[%dma_wait3A_314, %dma_wait3A_315] : memref<26x128xi32, #tpu.memory_space<vmem>> -> memref<1x128xi32, #tpu.memory_space<vmem>>
    %dma_wait3A_317 = tpu.memref_squeeze %dma_wait3A_316 : memref<1x128xi32, #tpu.memory_space<vmem>> -> memref<128xi32, #tpu.memory_space<vmem>>
    %dma_wait3A_318 = arith.constant 0 : i32
    %dma_wait3A_319 = arith.constant 0 : i32
    %dma_wait3A_320 = tpu.memref_slice %arg2[%dma_wait3A_313, %dma_wait3A_318, %dma_wait3A_319] : memref<26x100000x32xf32, #tpu.memory_space<hbm>> -> memref<1x100000x32xf32, #tpu.memory_space<hbm>>
    %dma_wait3A_321 = tpu.memref_squeeze %dma_wait3A_320 : memref<1x100000x32xf32, #tpu.memory_space<hbm>> -> memref<100000x32xf32, #tpu.memory_space<hbm>>
    %dma_wait3A_322 = arith.constant 0 : i32
    %dma_wait3A_323 = arith.constant 0 : i32
    %dma_wait3A_324 = tpu.memref_slice %dma_wait3A_321[%dma_wait3A_322, %dma_wait3A_323] : memref<100000x32xf32, #tpu.memory_space<hbm>> -> memref<100000x32xf32, #tpu.memory_space<hbm>>
    tpu.wait_indirect_dma semaphore(%arg9 : memref<!tpu.dma_semaphore, #tpu.memory_space<semaphore_mem>>) src(%dma_wait3A_324 : memref<100000x32xf32, #tpu.memory_space<hbm>>) dst(%arg7 : memref<128x32xf32, #tpu.memory_space<vmem>>)
    %dma_start3A_325 = arith.constant 288 : i32
    %dma_start3A_326 = tpu.memref_slice %arg4[%mul3A_2, %dma_start3A_325] : memref<4096x832xf32, #tpu.memory_space<hbm>> -> memref<128x32xf32, #tpu.memory_space<hbm>>
    %dma_start3A_327 = arith.constant 288 : i32
    %dma_start3A_328 = tpu.memref_slice %arg4[%mul3A_2, %dma_start3A_327] : memref<4096x832xf32, #tpu.memory_space<hbm>> -> memref<128x32xf32, #tpu.memory_space<hbm>>
    tpu.enqueue_dma source(%arg7 : memref<128x32xf32, #tpu.memory_space<vmem>>) target(%dma_start3A_328 : memref<128x32xf32, #tpu.memory_space<hbm>>) target_semaphore(%arg11 : memref<!tpu.dma_semaphore, #tpu.memory_space<semaphore_mem>>)
    %dma_wait3A_329 = arith.constant 288 : i32
    %dma_wait3A_330 = tpu.memref_slice %arg4[%mul3A_2, %dma_wait3A_329] : memref<4096x832xf32, #tpu.memory_space<hbm>> -> memref<128x32xf32, #tpu.memory_space<hbm>>
    %dma_wait3A_331 = arith.constant 288 : i32
    %dma_wait3A_332 = tpu.memref_slice %arg4[%mul3A_2, %dma_wait3A_331] : memref<4096x832xf32, #tpu.memory_space<hbm>> -> memref<128x32xf32, #tpu.memory_space<hbm>>
    tpu.wait_dma2 semaphore(%arg11 : memref<!tpu.dma_semaphore, #tpu.memory_space<semaphore_mem>>) src(%arg7 : memref<128x32xf32, #tpu.memory_space<vmem>>) dst(%dma_wait3A_332 : memref<128x32xf32, #tpu.memory_space<hbm>>)
    %dma_start3A_333 = arith.constant 11 : i32
    %dma_start3A_334 = arith.constant 11 : i32
    %dma_start3A_335 = arith.constant 0 : i32
    %dma_start3A_336 = tpu.memref_slice %arg5[%dma_start3A_334, %dma_start3A_335] : memref<26x128xi32, #tpu.memory_space<vmem>> -> memref<1x128xi32, #tpu.memory_space<vmem>>
    %dma_start3A_337 = tpu.memref_squeeze %dma_start3A_336 : memref<1x128xi32, #tpu.memory_space<vmem>> -> memref<128xi32, #tpu.memory_space<vmem>>
    %dma_start3A_338 = arith.constant 0 : i32
    %dma_start3A_339 = arith.constant 0 : i32
    %dma_start3A_340 = tpu.memref_slice %arg2[%dma_start3A_333, %dma_start3A_338, %dma_start3A_339] : memref<26x100000x32xf32, #tpu.memory_space<hbm>> -> memref<1x100000x32xf32, #tpu.memory_space<hbm>>
    %dma_start3A_341 = tpu.memref_squeeze %dma_start3A_340 : memref<1x100000x32xf32, #tpu.memory_space<hbm>> -> memref<100000x32xf32, #tpu.memory_space<hbm>>
    %dma_start3A_342 = arith.constant 0 : i32
    %dma_start3A_343 = arith.constant 0 : i32
    %dma_start3A_344 = tpu.memref_slice %dma_start3A_341[%dma_start3A_342, %dma_start3A_343] : memref<100000x32xf32, #tpu.memory_space<hbm>> -> memref<100000x32xf32, #tpu.memory_space<hbm>>
    tpu.enqueue_indirect_dma source(%dma_start3A_344 : memref<100000x32xf32, #tpu.memory_space<hbm>>) target(%arg7 : memref<128x32xf32, #tpu.memory_space<vmem>>) offsets(%dma_start3A_337 : memref<128xi32, #tpu.memory_space<vmem>>) semaphore(%arg9 : memref<!tpu.dma_semaphore, #tpu.memory_space<semaphore_mem>>)
    %dma_wait3A_345 = arith.constant 10 : i32
    %dma_wait3A_346 = arith.constant 10 : i32
    %dma_wait3A_347 = arith.constant 0 : i32
    %dma_wait3A_348 = tpu.memref_slice %arg5[%dma_wait3A_346, %dma_wait3A_347] : memref<26x128xi32, #tpu.memory_space<vmem>> -> memref<1x128xi32, #tpu.memory_space<vmem>>
    %dma_wait3A_349 = tpu.memref_squeeze %dma_wait3A_348 : memref<1x128xi32, #tpu.memory_space<vmem>> -> memref<128xi32, #tpu.memory_space<vmem>>
    %dma_wait3A_350 = arith.constant 0 : i32
    %dma_wait3A_351 = arith.constant 0 : i32
    %dma_wait3A_352 = tpu.memref_slice %arg2[%dma_wait3A_345, %dma_wait3A_350, %dma_wait3A_351] : memref<26x100000x32xf32, #tpu.memory_space<hbm>> -> memref<1x100000x32xf32, #tpu.memory_space<hbm>>
    %dma_wait3A_353 = tpu.memref_squeeze %dma_wait3A_352 : memref<1x100000x32xf32, #tpu.memory_space<hbm>> -> memref<100000x32xf32, #tpu.memory_space<hbm>>
    %dma_wait3A_354 = arith.constant 0 : i32
    %dma_wait3A_355 = arith.constant 0 : i32
    %dma_wait3A_356 = tpu.memref_slice %dma_wait3A_353[%dma_wait3A_354, %dma_wait3A_355] : memref<100000x32xf32, #tpu.memory_space<hbm>> -> memref<100000x32xf32, #tpu.memory_space<hbm>>
    tpu.wait_indirect_dma semaphore(%arg8 : memref<!tpu.dma_semaphore, #tpu.memory_space<semaphore_mem>>) src(%dma_wait3A_356 : memref<100000x32xf32, #tpu.memory_space<hbm>>) dst(%arg6 : memref<128x32xf32, #tpu.memory_space<vmem>>)
    %dma_start3A_357 = arith.constant 320 : i32
    %dma_start3A_358 = tpu.memref_slice %arg4[%mul3A_2, %dma_start3A_357] : memref<4096x832xf32, #tpu.memory_space<hbm>> -> memref<128x32xf32, #tpu.memory_space<hbm>>
    %dma_start3A_359 = arith.constant 320 : i32
    %dma_start3A_360 = tpu.memref_slice %arg4[%mul3A_2, %dma_start3A_359] : memref<4096x832xf32, #tpu.memory_space<hbm>> -> memref<128x32xf32, #tpu.memory_space<hbm>>
    tpu.enqueue_dma source(%arg6 : memref<128x32xf32, #tpu.memory_space<vmem>>) target(%dma_start3A_360 : memref<128x32xf32, #tpu.memory_space<hbm>>) target_semaphore(%arg10 : memref<!tpu.dma_semaphore, #tpu.memory_space<semaphore_mem>>)
    %dma_wait3A_361 = arith.constant 320 : i32
    %dma_wait3A_362 = tpu.memref_slice %arg4[%mul3A_2, %dma_wait3A_361] : memref<4096x832xf32, #tpu.memory_space<hbm>> -> memref<128x32xf32, #tpu.memory_space<hbm>>
    %dma_wait3A_363 = arith.constant 320 : i32
    %dma_wait3A_364 = tpu.memref_slice %arg4[%mul3A_2, %dma_wait3A_363] : memref<4096x832xf32, #tpu.memory_space<hbm>> -> memref<128x32xf32, #tpu.memory_space<hbm>>
    tpu.wait_dma2 semaphore(%arg10 : memref<!tpu.dma_semaphore, #tpu.memory_space<semaphore_mem>>) src(%arg6 : memref<128x32xf32, #tpu.memory_space<vmem>>) dst(%dma_wait3A_364 : memref<128x32xf32, #tpu.memory_space<hbm>>)
    %dma_start3A_365 = arith.constant 12 : i32
    %dma_start3A_366 = arith.constant 12 : i32
    %dma_start3A_367 = arith.constant 0 : i32
    %dma_start3A_368 = tpu.memref_slice %arg5[%dma_start3A_366, %dma_start3A_367] : memref<26x128xi32, #tpu.memory_space<vmem>> -> memref<1x128xi32, #tpu.memory_space<vmem>>
    %dma_start3A_369 = tpu.memref_squeeze %dma_start3A_368 : memref<1x128xi32, #tpu.memory_space<vmem>> -> memref<128xi32, #tpu.memory_space<vmem>>
    %dma_start3A_370 = arith.constant 0 : i32
    %dma_start3A_371 = arith.constant 0 : i32
    %dma_start3A_372 = tpu.memref_slice %arg2[%dma_start3A_365, %dma_start3A_370, %dma_start3A_371] : memref<26x100000x32xf32, #tpu.memory_space<hbm>> -> memref<1x100000x32xf32, #tpu.memory_space<hbm>>
    %dma_start3A_373 = tpu.memref_squeeze %dma_start3A_372 : memref<1x100000x32xf32, #tpu.memory_space<hbm>> -> memref<100000x32xf32, #tpu.memory_space<hbm>>
    %dma_start3A_374 = arith.constant 0 : i32
    %dma_start3A_375 = arith.constant 0 : i32
    %dma_start3A_376 = tpu.memref_slice %dma_start3A_373[%dma_start3A_374, %dma_start3A_375] : memref<100000x32xf32, #tpu.memory_space<hbm>> -> memref<100000x32xf32, #tpu.memory_space<hbm>>
    tpu.enqueue_indirect_dma source(%dma_start3A_376 : memref<100000x32xf32, #tpu.memory_space<hbm>>) target(%arg6 : memref<128x32xf32, #tpu.memory_space<vmem>>) offsets(%dma_start3A_369 : memref<128xi32, #tpu.memory_space<vmem>>) semaphore(%arg8 : memref<!tpu.dma_semaphore, #tpu.memory_space<semaphore_mem>>)
    %dma_wait3A_377 = arith.constant 11 : i32
    %dma_wait3A_378 = arith.constant 11 : i32
    %dma_wait3A_379 = arith.constant 0 : i32
    %dma_wait3A_380 = tpu.memref_slice %arg5[%dma_wait3A_378, %dma_wait3A_379] : memref<26x128xi32, #tpu.memory_space<vmem>> -> memref<1x128xi32, #tpu.memory_space<vmem>>
    %dma_wait3A_381 = tpu.memref_squeeze %dma_wait3A_380 : memref<1x128xi32, #tpu.memory_space<vmem>> -> memref<128xi32, #tpu.memory_space<vmem>>
    %dma_wait3A_382 = arith.constant 0 : i32
    %dma_wait3A_383 = arith.constant 0 : i32
    %dma_wait3A_384 = tpu.memref_slice %arg2[%dma_wait3A_377, %dma_wait3A_382, %dma_wait3A_383] : memref<26x100000x32xf32, #tpu.memory_space<hbm>> -> memref<1x100000x32xf32, #tpu.memory_space<hbm>>
    %dma_wait3A_385 = tpu.memref_squeeze %dma_wait3A_384 : memref<1x100000x32xf32, #tpu.memory_space<hbm>> -> memref<100000x32xf32, #tpu.memory_space<hbm>>
    %dma_wait3A_386 = arith.constant 0 : i32
    %dma_wait3A_387 = arith.constant 0 : i32
    %dma_wait3A_388 = tpu.memref_slice %dma_wait3A_385[%dma_wait3A_386, %dma_wait3A_387] : memref<100000x32xf32, #tpu.memory_space<hbm>> -> memref<100000x32xf32, #tpu.memory_space<hbm>>
    tpu.wait_indirect_dma semaphore(%arg9 : memref<!tpu.dma_semaphore, #tpu.memory_space<semaphore_mem>>) src(%dma_wait3A_388 : memref<100000x32xf32, #tpu.memory_space<hbm>>) dst(%arg7 : memref<128x32xf32, #tpu.memory_space<vmem>>)
    %dma_start3A_389 = arith.constant 352 : i32
    %dma_start3A_390 = tpu.memref_slice %arg4[%mul3A_2, %dma_start3A_389] : memref<4096x832xf32, #tpu.memory_space<hbm>> -> memref<128x32xf32, #tpu.memory_space<hbm>>
    %dma_start3A_391 = arith.constant 352 : i32
    %dma_start3A_392 = tpu.memref_slice %arg4[%mul3A_2, %dma_start3A_391] : memref<4096x832xf32, #tpu.memory_space<hbm>> -> memref<128x32xf32, #tpu.memory_space<hbm>>
    tpu.enqueue_dma source(%arg7 : memref<128x32xf32, #tpu.memory_space<vmem>>) target(%dma_start3A_392 : memref<128x32xf32, #tpu.memory_space<hbm>>) target_semaphore(%arg11 : memref<!tpu.dma_semaphore, #tpu.memory_space<semaphore_mem>>)
    %dma_wait3A_393 = arith.constant 352 : i32
    %dma_wait3A_394 = tpu.memref_slice %arg4[%mul3A_2, %dma_wait3A_393] : memref<4096x832xf32, #tpu.memory_space<hbm>> -> memref<128x32xf32, #tpu.memory_space<hbm>>
    %dma_wait3A_395 = arith.constant 352 : i32
    %dma_wait3A_396 = tpu.memref_slice %arg4[%mul3A_2, %dma_wait3A_395] : memref<4096x832xf32, #tpu.memory_space<hbm>> -> memref<128x32xf32, #tpu.memory_space<hbm>>
    tpu.wait_dma2 semaphore(%arg11 : memref<!tpu.dma_semaphore, #tpu.memory_space<semaphore_mem>>) src(%arg7 : memref<128x32xf32, #tpu.memory_space<vmem>>) dst(%dma_wait3A_396 : memref<128x32xf32, #tpu.memory_space<hbm>>)
    %dma_start3A_397 = arith.constant 13 : i32
    %dma_start3A_398 = arith.constant 13 : i32
    %dma_start3A_399 = arith.constant 0 : i32
    %dma_start3A_400 = tpu.memref_slice %arg5[%dma_start3A_398, %dma_start3A_399] : memref<26x128xi32, #tpu.memory_space<vmem>> -> memref<1x128xi32, #tpu.memory_space<vmem>>
    %dma_start3A_401 = tpu.memref_squeeze %dma_start3A_400 : memref<1x128xi32, #tpu.memory_space<vmem>> -> memref<128xi32, #tpu.memory_space<vmem>>
    %dma_start3A_402 = arith.constant 0 : i32
    %dma_start3A_403 = arith.constant 0 : i32
    %dma_start3A_404 = tpu.memref_slice %arg2[%dma_start3A_397, %dma_start3A_402, %dma_start3A_403] : memref<26x100000x32xf32, #tpu.memory_space<hbm>> -> memref<1x100000x32xf32, #tpu.memory_space<hbm>>
    %dma_start3A_405 = tpu.memref_squeeze %dma_start3A_404 : memref<1x100000x32xf32, #tpu.memory_space<hbm>> -> memref<100000x32xf32, #tpu.memory_space<hbm>>
    %dma_start3A_406 = arith.constant 0 : i32
    %dma_start3A_407 = arith.constant 0 : i32
    %dma_start3A_408 = tpu.memref_slice %dma_start3A_405[%dma_start3A_406, %dma_start3A_407] : memref<100000x32xf32, #tpu.memory_space<hbm>> -> memref<100000x32xf32, #tpu.memory_space<hbm>>
    tpu.enqueue_indirect_dma source(%dma_start3A_408 : memref<100000x32xf32, #tpu.memory_space<hbm>>) target(%arg7 : memref<128x32xf32, #tpu.memory_space<vmem>>) offsets(%dma_start3A_401 : memref<128xi32, #tpu.memory_space<vmem>>) semaphore(%arg9 : memref<!tpu.dma_semaphore, #tpu.memory_space<semaphore_mem>>)
    %dma_wait3A_409 = arith.constant 12 : i32
    %dma_wait3A_410 = arith.constant 12 : i32
    %dma_wait3A_411 = arith.constant 0 : i32
    %dma_wait3A_412 = tpu.memref_slice %arg5[%dma_wait3A_410, %dma_wait3A_411] : memref<26x128xi32, #tpu.memory_space<vmem>> -> memref<1x128xi32, #tpu.memory_space<vmem>>
    %dma_wait3A_413 = tpu.memref_squeeze %dma_wait3A_412 : memref<1x128xi32, #tpu.memory_space<vmem>> -> memref<128xi32, #tpu.memory_space<vmem>>
    %dma_wait3A_414 = arith.constant 0 : i32
    %dma_wait3A_415 = arith.constant 0 : i32
    %dma_wait3A_416 = tpu.memref_slice %arg2[%dma_wait3A_409, %dma_wait3A_414, %dma_wait3A_415] : memref<26x100000x32xf32, #tpu.memory_space<hbm>> -> memref<1x100000x32xf32, #tpu.memory_space<hbm>>
    %dma_wait3A_417 = tpu.memref_squeeze %dma_wait3A_416 : memref<1x100000x32xf32, #tpu.memory_space<hbm>> -> memref<100000x32xf32, #tpu.memory_space<hbm>>
    %dma_wait3A_418 = arith.constant 0 : i32
    %dma_wait3A_419 = arith.constant 0 : i32
    %dma_wait3A_420 = tpu.memref_slice %dma_wait3A_417[%dma_wait3A_418, %dma_wait3A_419] : memref<100000x32xf32, #tpu.memory_space<hbm>> -> memref<100000x32xf32, #tpu.memory_space<hbm>>
    tpu.wait_indirect_dma semaphore(%arg8 : memref<!tpu.dma_semaphore, #tpu.memory_space<semaphore_mem>>) src(%dma_wait3A_420 : memref<100000x32xf32, #tpu.memory_space<hbm>>) dst(%arg6 : memref<128x32xf32, #tpu.memory_space<vmem>>)
    %dma_start3A_421 = arith.constant 384 : i32
    %dma_start3A_422 = tpu.memref_slice %arg4[%mul3A_2, %dma_start3A_421] : memref<4096x832xf32, #tpu.memory_space<hbm>> -> memref<128x32xf32, #tpu.memory_space<hbm>>
    %dma_start3A_423 = arith.constant 384 : i32
    %dma_start3A_424 = tpu.memref_slice %arg4[%mul3A_2, %dma_start3A_423] : memref<4096x832xf32, #tpu.memory_space<hbm>> -> memref<128x32xf32, #tpu.memory_space<hbm>>
    tpu.enqueue_dma source(%arg6 : memref<128x32xf32, #tpu.memory_space<vmem>>) target(%dma_start3A_424 : memref<128x32xf32, #tpu.memory_space<hbm>>) target_semaphore(%arg10 : memref<!tpu.dma_semaphore, #tpu.memory_space<semaphore_mem>>)
    %dma_wait3A_425 = arith.constant 384 : i32
    %dma_wait3A_426 = tpu.memref_slice %arg4[%mul3A_2, %dma_wait3A_425] : memref<4096x832xf32, #tpu.memory_space<hbm>> -> memref<128x32xf32, #tpu.memory_space<hbm>>
    %dma_wait3A_427 = arith.constant 384 : i32
    %dma_wait3A_428 = tpu.memref_slice %arg4[%mul3A_2, %dma_wait3A_427] : memref<4096x832xf32, #tpu.memory_space<hbm>> -> memref<128x32xf32, #tpu.memory_space<hbm>>
    tpu.wait_dma2 semaphore(%arg10 : memref<!tpu.dma_semaphore, #tpu.memory_space<semaphore_mem>>) src(%arg6 : memref<128x32xf32, #tpu.memory_space<vmem>>) dst(%dma_wait3A_428 : memref<128x32xf32, #tpu.memory_space<hbm>>)
    %dma_start3A_429 = arith.constant 14 : i32
    %dma_start3A_430 = arith.constant 14 : i32
    %dma_start3A_431 = arith.constant 0 : i32
    %dma_start3A_432 = tpu.memref_slice %arg5[%dma_start3A_430, %dma_start3A_431] : memref<26x128xi32, #tpu.memory_space<vmem>> -> memref<1x128xi32, #tpu.memory_space<vmem>>
    %dma_start3A_433 = tpu.memref_squeeze %dma_start3A_432 : memref<1x128xi32, #tpu.memory_space<vmem>> -> memref<128xi32, #tpu.memory_space<vmem>>
    %dma_start3A_434 = arith.constant 0 : i32
    %dma_start3A_435 = arith.constant 0 : i32
    %dma_start3A_436 = tpu.memref_slice %arg2[%dma_start3A_429, %dma_start3A_434, %dma_start3A_435] : memref<26x100000x32xf32, #tpu.memory_space<hbm>> -> memref<1x100000x32xf32, #tpu.memory_space<hbm>>
    %dma_start3A_437 = tpu.memref_squeeze %dma_start3A_436 : memref<1x100000x32xf32, #tpu.memory_space<hbm>> -> memref<100000x32xf32, #tpu.memory_space<hbm>>
    %dma_start3A_438 = arith.constant 0 : i32
    %dma_start3A_439 = arith.constant 0 : i32
    %dma_start3A_440 = tpu.memref_slice %dma_start3A_437[%dma_start3A_438, %dma_start3A_439] : memref<100000x32xf32, #tpu.memory_space<hbm>> -> memref<100000x32xf32, #tpu.memory_space<hbm>>
    tpu.enqueue_indirect_dma source(%dma_start3A_440 : memref<100000x32xf32, #tpu.memory_space<hbm>>) target(%arg6 : memref<128x32xf32, #tpu.memory_space<vmem>>) offsets(%dma_start3A_433 : memref<128xi32, #tpu.memory_space<vmem>>) semaphore(%arg8 : memref<!tpu.dma_semaphore, #tpu.memory_space<semaphore_mem>>)
    %dma_wait3A_441 = arith.constant 13 : i32
    %dma_wait3A_442 = arith.constant 13 : i32
    %dma_wait3A_443 = arith.constant 0 : i32
    %dma_wait3A_444 = tpu.memref_slice %arg5[%dma_wait3A_442, %dma_wait3A_443] : memref<26x128xi32, #tpu.memory_space<vmem>> -> memref<1x128xi32, #tpu.memory_space<vmem>>
    %dma_wait3A_445 = tpu.memref_squeeze %dma_wait3A_444 : memref<1x128xi32, #tpu.memory_space<vmem>> -> memref<128xi32, #tpu.memory_space<vmem>>
    %dma_wait3A_446 = arith.constant 0 : i32
    %dma_wait3A_447 = arith.constant 0 : i32
    %dma_wait3A_448 = tpu.memref_slice %arg2[%dma_wait3A_441, %dma_wait3A_446, %dma_wait3A_447] : memref<26x100000x32xf32, #tpu.memory_space<hbm>> -> memref<1x100000x32xf32, #tpu.memory_space<hbm>>
    %dma_wait3A_449 = tpu.memref_squeeze %dma_wait3A_448 : memref<1x100000x32xf32, #tpu.memory_space<hbm>> -> memref<100000x32xf32, #tpu.memory_space<hbm>>
    %dma_wait3A_450 = arith.constant 0 : i32
    %dma_wait3A_451 = arith.constant 0 : i32
    %dma_wait3A_452 = tpu.memref_slice %dma_wait3A_449[%dma_wait3A_450, %dma_wait3A_451] : memref<100000x32xf32, #tpu.memory_space<hbm>> -> memref<100000x32xf32, #tpu.memory_space<hbm>>
    tpu.wait_indirect_dma semaphore(%arg9 : memref<!tpu.dma_semaphore, #tpu.memory_space<semaphore_mem>>) src(%dma_wait3A_452 : memref<100000x32xf32, #tpu.memory_space<hbm>>) dst(%arg7 : memref<128x32xf32, #tpu.memory_space<vmem>>)
    %dma_start3A_453 = arith.constant 416 : i32
    %dma_start3A_454 = tpu.memref_slice %arg4[%mul3A_2, %dma_start3A_453] : memref<4096x832xf32, #tpu.memory_space<hbm>> -> memref<128x32xf32, #tpu.memory_space<hbm>>
    %dma_start3A_455 = arith.constant 416 : i32
    %dma_start3A_456 = tpu.memref_slice %arg4[%mul3A_2, %dma_start3A_455] : memref<4096x832xf32, #tpu.memory_space<hbm>> -> memref<128x32xf32, #tpu.memory_space<hbm>>
    tpu.enqueue_dma source(%arg7 : memref<128x32xf32, #tpu.memory_space<vmem>>) target(%dma_start3A_456 : memref<128x32xf32, #tpu.memory_space<hbm>>) target_semaphore(%arg11 : memref<!tpu.dma_semaphore, #tpu.memory_space<semaphore_mem>>)
    %dma_wait3A_457 = arith.constant 416 : i32
    %dma_wait3A_458 = tpu.memref_slice %arg4[%mul3A_2, %dma_wait3A_457] : memref<4096x832xf32, #tpu.memory_space<hbm>> -> memref<128x32xf32, #tpu.memory_space<hbm>>
    %dma_wait3A_459 = arith.constant 416 : i32
    %dma_wait3A_460 = tpu.memref_slice %arg4[%mul3A_2, %dma_wait3A_459] : memref<4096x832xf32, #tpu.memory_space<hbm>> -> memref<128x32xf32, #tpu.memory_space<hbm>>
    tpu.wait_dma2 semaphore(%arg11 : memref<!tpu.dma_semaphore, #tpu.memory_space<semaphore_mem>>) src(%arg7 : memref<128x32xf32, #tpu.memory_space<vmem>>) dst(%dma_wait3A_460 : memref<128x32xf32, #tpu.memory_space<hbm>>)
    %dma_start3A_461 = arith.constant 15 : i32
    %dma_start3A_462 = arith.constant 15 : i32
    %dma_start3A_463 = arith.constant 0 : i32
    %dma_start3A_464 = tpu.memref_slice %arg5[%dma_start3A_462, %dma_start3A_463] : memref<26x128xi32, #tpu.memory_space<vmem>> -> memref<1x128xi32, #tpu.memory_space<vmem>>
    %dma_start3A_465 = tpu.memref_squeeze %dma_start3A_464 : memref<1x128xi32, #tpu.memory_space<vmem>> -> memref<128xi32, #tpu.memory_space<vmem>>
    %dma_start3A_466 = arith.constant 0 : i32
    %dma_start3A_467 = arith.constant 0 : i32
    %dma_start3A_468 = tpu.memref_slice %arg2[%dma_start3A_461, %dma_start3A_466, %dma_start3A_467] : memref<26x100000x32xf32, #tpu.memory_space<hbm>> -> memref<1x100000x32xf32, #tpu.memory_space<hbm>>
    %dma_start3A_469 = tpu.memref_squeeze %dma_start3A_468 : memref<1x100000x32xf32, #tpu.memory_space<hbm>> -> memref<100000x32xf32, #tpu.memory_space<hbm>>
    %dma_start3A_470 = arith.constant 0 : i32
    %dma_start3A_471 = arith.constant 0 : i32
    %dma_start3A_472 = tpu.memref_slice %dma_start3A_469[%dma_start3A_470, %dma_start3A_471] : memref<100000x32xf32, #tpu.memory_space<hbm>> -> memref<100000x32xf32, #tpu.memory_space<hbm>>
    tpu.enqueue_indirect_dma source(%dma_start3A_472 : memref<100000x32xf32, #tpu.memory_space<hbm>>) target(%arg7 : memref<128x32xf32, #tpu.memory_space<vmem>>) offsets(%dma_start3A_465 : memref<128xi32, #tpu.memory_space<vmem>>) semaphore(%arg9 : memref<!tpu.dma_semaphore, #tpu.memory_space<semaphore_mem>>)
    %dma_wait3A_473 = arith.constant 14 : i32
    %dma_wait3A_474 = arith.constant 14 : i32
    %dma_wait3A_475 = arith.constant 0 : i32
    %dma_wait3A_476 = tpu.memref_slice %arg5[%dma_wait3A_474, %dma_wait3A_475] : memref<26x128xi32, #tpu.memory_space<vmem>> -> memref<1x128xi32, #tpu.memory_space<vmem>>
    %dma_wait3A_477 = tpu.memref_squeeze %dma_wait3A_476 : memref<1x128xi32, #tpu.memory_space<vmem>> -> memref<128xi32, #tpu.memory_space<vmem>>
    %dma_wait3A_478 = arith.constant 0 : i32
    %dma_wait3A_479 = arith.constant 0 : i32
    %dma_wait3A_480 = tpu.memref_slice %arg2[%dma_wait3A_473, %dma_wait3A_478, %dma_wait3A_479] : memref<26x100000x32xf32, #tpu.memory_space<hbm>> -> memref<1x100000x32xf32, #tpu.memory_space<hbm>>
    %dma_wait3A_481 = tpu.memref_squeeze %dma_wait3A_480 : memref<1x100000x32xf32, #tpu.memory_space<hbm>> -> memref<100000x32xf32, #tpu.memory_space<hbm>>
    %dma_wait3A_482 = arith.constant 0 : i32
    %dma_wait3A_483 = arith.constant 0 : i32
    %dma_wait3A_484 = tpu.memref_slice %dma_wait3A_481[%dma_wait3A_482, %dma_wait3A_483] : memref<100000x32xf32, #tpu.memory_space<hbm>> -> memref<100000x32xf32, #tpu.memory_space<hbm>>
    tpu.wait_indirect_dma semaphore(%arg8 : memref<!tpu.dma_semaphore, #tpu.memory_space<semaphore_mem>>) src(%dma_wait3A_484 : memref<100000x32xf32, #tpu.memory_space<hbm>>) dst(%arg6 : memref<128x32xf32, #tpu.memory_space<vmem>>)
    %dma_start3A_485 = arith.constant 448 : i32
    %dma_start3A_486 = tpu.memref_slice %arg4[%mul3A_2, %dma_start3A_485] : memref<4096x832xf32, #tpu.memory_space<hbm>> -> memref<128x32xf32, #tpu.memory_space<hbm>>
    %dma_start3A_487 = arith.constant 448 : i32
    %dma_start3A_488 = tpu.memref_slice %arg4[%mul3A_2, %dma_start3A_487] : memref<4096x832xf32, #tpu.memory_space<hbm>> -> memref<128x32xf32, #tpu.memory_space<hbm>>
    tpu.enqueue_dma source(%arg6 : memref<128x32xf32, #tpu.memory_space<vmem>>) target(%dma_start3A_488 : memref<128x32xf32, #tpu.memory_space<hbm>>) target_semaphore(%arg10 : memref<!tpu.dma_semaphore, #tpu.memory_space<semaphore_mem>>)
    %dma_wait3A_489 = arith.constant 448 : i32
    %dma_wait3A_490 = tpu.memref_slice %arg4[%mul3A_2, %dma_wait3A_489] : memref<4096x832xf32, #tpu.memory_space<hbm>> -> memref<128x32xf32, #tpu.memory_space<hbm>>
    %dma_wait3A_491 = arith.constant 448 : i32
    %dma_wait3A_492 = tpu.memref_slice %arg4[%mul3A_2, %dma_wait3A_491] : memref<4096x832xf32, #tpu.memory_space<hbm>> -> memref<128x32xf32, #tpu.memory_space<hbm>>
    tpu.wait_dma2 semaphore(%arg10 : memref<!tpu.dma_semaphore, #tpu.memory_space<semaphore_mem>>) src(%arg6 : memref<128x32xf32, #tpu.memory_space<vmem>>) dst(%dma_wait3A_492 : memref<128x32xf32, #tpu.memory_space<hbm>>)
    %dma_start3A_493 = arith.constant 16 : i32
    %dma_start3A_494 = arith.constant 16 : i32
    %dma_start3A_495 = arith.constant 0 : i32
    %dma_start3A_496 = tpu.memref_slice %arg5[%dma_start3A_494, %dma_start3A_495] : memref<26x128xi32, #tpu.memory_space<vmem>> -> memref<1x128xi32, #tpu.memory_space<vmem>>
    %dma_start3A_497 = tpu.memref_squeeze %dma_start3A_496 : memref<1x128xi32, #tpu.memory_space<vmem>> -> memref<128xi32, #tpu.memory_space<vmem>>
    %dma_start3A_498 = arith.constant 0 : i32
    %dma_start3A_499 = arith.constant 0 : i32
    %dma_start3A_500 = tpu.memref_slice %arg2[%dma_start3A_493, %dma_start3A_498, %dma_start3A_499] : memref<26x100000x32xf32, #tpu.memory_space<hbm>> -> memref<1x100000x32xf32, #tpu.memory_space<hbm>>
    %dma_start3A_501 = tpu.memref_squeeze %dma_start3A_500 : memref<1x100000x32xf32, #tpu.memory_space<hbm>> -> memref<100000x32xf32, #tpu.memory_space<hbm>>
    %dma_start3A_502 = arith.constant 0 : i32
    %dma_start3A_503 = arith.constant 0 : i32
    %dma_start3A_504 = tpu.memref_slice %dma_start3A_501[%dma_start3A_502, %dma_start3A_503] : memref<100000x32xf32, #tpu.memory_space<hbm>> -> memref<100000x32xf32, #tpu.memory_space<hbm>>
    tpu.enqueue_indirect_dma source(%dma_start3A_504 : memref<100000x32xf32, #tpu.memory_space<hbm>>) target(%arg6 : memref<128x32xf32, #tpu.memory_space<vmem>>) offsets(%dma_start3A_497 : memref<128xi32, #tpu.memory_space<vmem>>) semaphore(%arg8 : memref<!tpu.dma_semaphore, #tpu.memory_space<semaphore_mem>>)
    %dma_wait3A_505 = arith.constant 15 : i32
    %dma_wait3A_506 = arith.constant 15 : i32
    %dma_wait3A_507 = arith.constant 0 : i32
    %dma_wait3A_508 = tpu.memref_slice %arg5[%dma_wait3A_506, %dma_wait3A_507] : memref<26x128xi32, #tpu.memory_space<vmem>> -> memref<1x128xi32, #tpu.memory_space<vmem>>
    %dma_wait3A_509 = tpu.memref_squeeze %dma_wait3A_508 : memref<1x128xi32, #tpu.memory_space<vmem>> -> memref<128xi32, #tpu.memory_space<vmem>>
    %dma_wait3A_510 = arith.constant 0 : i32
    %dma_wait3A_511 = arith.constant 0 : i32
    %dma_wait3A_512 = tpu.memref_slice %arg2[%dma_wait3A_505, %dma_wait3A_510, %dma_wait3A_511] : memref<26x100000x32xf32, #tpu.memory_space<hbm>> -> memref<1x100000x32xf32, #tpu.memory_space<hbm>>
    %dma_wait3A_513 = tpu.memref_squeeze %dma_wait3A_512 : memref<1x100000x32xf32, #tpu.memory_space<hbm>> -> memref<100000x32xf32, #tpu.memory_space<hbm>>
    %dma_wait3A_514 = arith.constant 0 : i32
    %dma_wait3A_515 = arith.constant 0 : i32
    %dma_wait3A_516 = tpu.memref_slice %dma_wait3A_513[%dma_wait3A_514, %dma_wait3A_515] : memref<100000x32xf32, #tpu.memory_space<hbm>> -> memref<100000x32xf32, #tpu.memory_space<hbm>>
    tpu.wait_indirect_dma semaphore(%arg9 : memref<!tpu.dma_semaphore, #tpu.memory_space<semaphore_mem>>) src(%dma_wait3A_516 : memref<100000x32xf32, #tpu.memory_space<hbm>>) dst(%arg7 : memref<128x32xf32, #tpu.memory_space<vmem>>)
    %dma_start3A_517 = arith.constant 480 : i32
    %dma_start3A_518 = tpu.memref_slice %arg4[%mul3A_2, %dma_start3A_517] : memref<4096x832xf32, #tpu.memory_space<hbm>> -> memref<128x32xf32, #tpu.memory_space<hbm>>
    %dma_start3A_519 = arith.constant 480 : i32
    %dma_start3A_520 = tpu.memref_slice %arg4[%mul3A_2, %dma_start3A_519] : memref<4096x832xf32, #tpu.memory_space<hbm>> -> memref<128x32xf32, #tpu.memory_space<hbm>>
    tpu.enqueue_dma source(%arg7 : memref<128x32xf32, #tpu.memory_space<vmem>>) target(%dma_start3A_520 : memref<128x32xf32, #tpu.memory_space<hbm>>) target_semaphore(%arg11 : memref<!tpu.dma_semaphore, #tpu.memory_space<semaphore_mem>>)
    %dma_wait3A_521 = arith.constant 480 : i32
    %dma_wait3A_522 = tpu.memref_slice %arg4[%mul3A_2, %dma_wait3A_521] : memref<4096x832xf32, #tpu.memory_space<hbm>> -> memref<128x32xf32, #tpu.memory_space<hbm>>
    %dma_wait3A_523 = arith.constant 480 : i32
    %dma_wait3A_524 = tpu.memref_slice %arg4[%mul3A_2, %dma_wait3A_523] : memref<4096x832xf32, #tpu.memory_space<hbm>> -> memref<128x32xf32, #tpu.memory_space<hbm>>
    tpu.wait_dma2 semaphore(%arg11 : memref<!tpu.dma_semaphore, #tpu.memory_space<semaphore_mem>>) src(%arg7 : memref<128x32xf32, #tpu.memory_space<vmem>>) dst(%dma_wait3A_524 : memref<128x32xf32, #tpu.memory_space<hbm>>)
    %dma_start3A_525 = arith.constant 17 : i32
    %dma_start3A_526 = arith.constant 17 : i32
    %dma_start3A_527 = arith.constant 0 : i32
    %dma_start3A_528 = tpu.memref_slice %arg5[%dma_start3A_526, %dma_start3A_527] : memref<26x128xi32, #tpu.memory_space<vmem>> -> memref<1x128xi32, #tpu.memory_space<vmem>>
    %dma_start3A_529 = tpu.memref_squeeze %dma_start3A_528 : memref<1x128xi32, #tpu.memory_space<vmem>> -> memref<128xi32, #tpu.memory_space<vmem>>
    %dma_start3A_530 = arith.constant 0 : i32
    %dma_start3A_531 = arith.constant 0 : i32
    %dma_start3A_532 = tpu.memref_slice %arg2[%dma_start3A_525, %dma_start3A_530, %dma_start3A_531] : memref<26x100000x32xf32, #tpu.memory_space<hbm>> -> memref<1x100000x32xf32, #tpu.memory_space<hbm>>
    %dma_start3A_533 = tpu.memref_squeeze %dma_start3A_532 : memref<1x100000x32xf32, #tpu.memory_space<hbm>> -> memref<100000x32xf32, #tpu.memory_space<hbm>>
    %dma_start3A_534 = arith.constant 0 : i32
    %dma_start3A_535 = arith.constant 0 : i32
    %dma_start3A_536 = tpu.memref_slice %dma_start3A_533[%dma_start3A_534, %dma_start3A_535] : memref<100000x32xf32, #tpu.memory_space<hbm>> -> memref<100000x32xf32, #tpu.memory_space<hbm>>
    tpu.enqueue_indirect_dma source(%dma_start3A_536 : memref<100000x32xf32, #tpu.memory_space<hbm>>) target(%arg7 : memref<128x32xf32, #tpu.memory_space<vmem>>) offsets(%dma_start3A_529 : memref<128xi32, #tpu.memory_space<vmem>>) semaphore(%arg9 : memref<!tpu.dma_semaphore, #tpu.memory_space<semaphore_mem>>)
    %dma_wait3A_537 = arith.constant 16 : i32
    %dma_wait3A_538 = arith.constant 16 : i32
    %dma_wait3A_539 = arith.constant 0 : i32
    %dma_wait3A_540 = tpu.memref_slice %arg5[%dma_wait3A_538, %dma_wait3A_539] : memref<26x128xi32, #tpu.memory_space<vmem>> -> memref<1x128xi32, #tpu.memory_space<vmem>>
    %dma_wait3A_541 = tpu.memref_squeeze %dma_wait3A_540 : memref<1x128xi32, #tpu.memory_space<vmem>> -> memref<128xi32, #tpu.memory_space<vmem>>
    %dma_wait3A_542 = arith.constant 0 : i32
    %dma_wait3A_543 = arith.constant 0 : i32
    %dma_wait3A_544 = tpu.memref_slice %arg2[%dma_wait3A_537, %dma_wait3A_542, %dma_wait3A_543] : memref<26x100000x32xf32, #tpu.memory_space<hbm>> -> memref<1x100000x32xf32, #tpu.memory_space<hbm>>
    %dma_wait3A_545 = tpu.memref_squeeze %dma_wait3A_544 : memref<1x100000x32xf32, #tpu.memory_space<hbm>> -> memref<100000x32xf32, #tpu.memory_space<hbm>>
    %dma_wait3A_546 = arith.constant 0 : i32
    %dma_wait3A_547 = arith.constant 0 : i32
    %dma_wait3A_548 = tpu.memref_slice %dma_wait3A_545[%dma_wait3A_546, %dma_wait3A_547] : memref<100000x32xf32, #tpu.memory_space<hbm>> -> memref<100000x32xf32, #tpu.memory_space<hbm>>
    tpu.wait_indirect_dma semaphore(%arg8 : memref<!tpu.dma_semaphore, #tpu.memory_space<semaphore_mem>>) src(%dma_wait3A_548 : memref<100000x32xf32, #tpu.memory_space<hbm>>) dst(%arg6 : memref<128x32xf32, #tpu.memory_space<vmem>>)
    %dma_start3A_549 = arith.constant 512 : i32
    %dma_start3A_550 = tpu.memref_slice %arg4[%mul3A_2, %dma_start3A_549] : memref<4096x832xf32, #tpu.memory_space<hbm>> -> memref<128x32xf32, #tpu.memory_space<hbm>>
    %dma_start3A_551 = arith.constant 512 : i32
    %dma_start3A_552 = tpu.memref_slice %arg4[%mul3A_2, %dma_start3A_551] : memref<4096x832xf32, #tpu.memory_space<hbm>> -> memref<128x32xf32, #tpu.memory_space<hbm>>
    tpu.enqueue_dma source(%arg6 : memref<128x32xf32, #tpu.memory_space<vmem>>) target(%dma_start3A_552 : memref<128x32xf32, #tpu.memory_space<hbm>>) target_semaphore(%arg10 : memref<!tpu.dma_semaphore, #tpu.memory_space<semaphore_mem>>)
    %dma_wait3A_553 = arith.constant 512 : i32
    %dma_wait3A_554 = tpu.memref_slice %arg4[%mul3A_2, %dma_wait3A_553] : memref<4096x832xf32, #tpu.memory_space<hbm>> -> memref<128x32xf32, #tpu.memory_space<hbm>>
    %dma_wait3A_555 = arith.constant 512 : i32
    %dma_wait3A_556 = tpu.memref_slice %arg4[%mul3A_2, %dma_wait3A_555] : memref<4096x832xf32, #tpu.memory_space<hbm>> -> memref<128x32xf32, #tpu.memory_space<hbm>>
    tpu.wait_dma2 semaphore(%arg10 : memref<!tpu.dma_semaphore, #tpu.memory_space<semaphore_mem>>) src(%arg6 : memref<128x32xf32, #tpu.memory_space<vmem>>) dst(%dma_wait3A_556 : memref<128x32xf32, #tpu.memory_space<hbm>>)
    %dma_start3A_557 = arith.constant 18 : i32
    %dma_start3A_558 = arith.constant 18 : i32
    %dma_start3A_559 = arith.constant 0 : i32
    %dma_start3A_560 = tpu.memref_slice %arg5[%dma_start3A_558, %dma_start3A_559] : memref<26x128xi32, #tpu.memory_space<vmem>> -> memref<1x128xi32, #tpu.memory_space<vmem>>
    %dma_start3A_561 = tpu.memref_squeeze %dma_start3A_560 : memref<1x128xi32, #tpu.memory_space<vmem>> -> memref<128xi32, #tpu.memory_space<vmem>>
    %dma_start3A_562 = arith.constant 0 : i32
    %dma_start3A_563 = arith.constant 0 : i32
    %dma_start3A_564 = tpu.memref_slice %arg2[%dma_start3A_557, %dma_start3A_562, %dma_start3A_563] : memref<26x100000x32xf32, #tpu.memory_space<hbm>> -> memref<1x100000x32xf32, #tpu.memory_space<hbm>>
    %dma_start3A_565 = tpu.memref_squeeze %dma_start3A_564 : memref<1x100000x32xf32, #tpu.memory_space<hbm>> -> memref<100000x32xf32, #tpu.memory_space<hbm>>
    %dma_start3A_566 = arith.constant 0 : i32
    %dma_start3A_567 = arith.constant 0 : i32
    %dma_start3A_568 = tpu.memref_slice %dma_start3A_565[%dma_start3A_566, %dma_start3A_567] : memref<100000x32xf32, #tpu.memory_space<hbm>> -> memref<100000x32xf32, #tpu.memory_space<hbm>>
    tpu.enqueue_indirect_dma source(%dma_start3A_568 : memref<100000x32xf32, #tpu.memory_space<hbm>>) target(%arg6 : memref<128x32xf32, #tpu.memory_space<vmem>>) offsets(%dma_start3A_561 : memref<128xi32, #tpu.memory_space<vmem>>) semaphore(%arg8 : memref<!tpu.dma_semaphore, #tpu.memory_space<semaphore_mem>>)
    %dma_wait3A_569 = arith.constant 17 : i32
    %dma_wait3A_570 = arith.constant 17 : i32
    %dma_wait3A_571 = arith.constant 0 : i32
    %dma_wait3A_572 = tpu.memref_slice %arg5[%dma_wait3A_570, %dma_wait3A_571] : memref<26x128xi32, #tpu.memory_space<vmem>> -> memref<1x128xi32, #tpu.memory_space<vmem>>
    %dma_wait3A_573 = tpu.memref_squeeze %dma_wait3A_572 : memref<1x128xi32, #tpu.memory_space<vmem>> -> memref<128xi32, #tpu.memory_space<vmem>>
    %dma_wait3A_574 = arith.constant 0 : i32
    %dma_wait3A_575 = arith.constant 0 : i32
    %dma_wait3A_576 = tpu.memref_slice %arg2[%dma_wait3A_569, %dma_wait3A_574, %dma_wait3A_575] : memref<26x100000x32xf32, #tpu.memory_space<hbm>> -> memref<1x100000x32xf32, #tpu.memory_space<hbm>>
    %dma_wait3A_577 = tpu.memref_squeeze %dma_wait3A_576 : memref<1x100000x32xf32, #tpu.memory_space<hbm>> -> memref<100000x32xf32, #tpu.memory_space<hbm>>
    %dma_wait3A_578 = arith.constant 0 : i32
    %dma_wait3A_579 = arith.constant 0 : i32
    %dma_wait3A_580 = tpu.memref_slice %dma_wait3A_577[%dma_wait3A_578, %dma_wait3A_579] : memref<100000x32xf32, #tpu.memory_space<hbm>> -> memref<100000x32xf32, #tpu.memory_space<hbm>>
    tpu.wait_indirect_dma semaphore(%arg9 : memref<!tpu.dma_semaphore, #tpu.memory_space<semaphore_mem>>) src(%dma_wait3A_580 : memref<100000x32xf32, #tpu.memory_space<hbm>>) dst(%arg7 : memref<128x32xf32, #tpu.memory_space<vmem>>)
    %dma_start3A_581 = arith.constant 544 : i32
    %dma_start3A_582 = tpu.memref_slice %arg4[%mul3A_2, %dma_start3A_581] : memref<4096x832xf32, #tpu.memory_space<hbm>> -> memref<128x32xf32, #tpu.memory_space<hbm>>
    %dma_start3A_583 = arith.constant 544 : i32
    %dma_start3A_584 = tpu.memref_slice %arg4[%mul3A_2, %dma_start3A_583] : memref<4096x832xf32, #tpu.memory_space<hbm>> -> memref<128x32xf32, #tpu.memory_space<hbm>>
    tpu.enqueue_dma source(%arg7 : memref<128x32xf32, #tpu.memory_space<vmem>>) target(%dma_start3A_584 : memref<128x32xf32, #tpu.memory_space<hbm>>) target_semaphore(%arg11 : memref<!tpu.dma_semaphore, #tpu.memory_space<semaphore_mem>>)
    %dma_wait3A_585 = arith.constant 544 : i32
    %dma_wait3A_586 = tpu.memref_slice %arg4[%mul3A_2, %dma_wait3A_585] : memref<4096x832xf32, #tpu.memory_space<hbm>> -> memref<128x32xf32, #tpu.memory_space<hbm>>
    %dma_wait3A_587 = arith.constant 544 : i32
    %dma_wait3A_588 = tpu.memref_slice %arg4[%mul3A_2, %dma_wait3A_587] : memref<4096x832xf32, #tpu.memory_space<hbm>> -> memref<128x32xf32, #tpu.memory_space<hbm>>
    tpu.wait_dma2 semaphore(%arg11 : memref<!tpu.dma_semaphore, #tpu.memory_space<semaphore_mem>>) src(%arg7 : memref<128x32xf32, #tpu.memory_space<vmem>>) dst(%dma_wait3A_588 : memref<128x32xf32, #tpu.memory_space<hbm>>)
    %dma_start3A_589 = arith.constant 19 : i32
    %dma_start3A_590 = arith.constant 19 : i32
    %dma_start3A_591 = arith.constant 0 : i32
    %dma_start3A_592 = tpu.memref_slice %arg5[%dma_start3A_590, %dma_start3A_591] : memref<26x128xi32, #tpu.memory_space<vmem>> -> memref<1x128xi32, #tpu.memory_space<vmem>>
    %dma_start3A_593 = tpu.memref_squeeze %dma_start3A_592 : memref<1x128xi32, #tpu.memory_space<vmem>> -> memref<128xi32, #tpu.memory_space<vmem>>
    %dma_start3A_594 = arith.constant 0 : i32
    %dma_start3A_595 = arith.constant 0 : i32
    %dma_start3A_596 = tpu.memref_slice %arg2[%dma_start3A_589, %dma_start3A_594, %dma_start3A_595] : memref<26x100000x32xf32, #tpu.memory_space<hbm>> -> memref<1x100000x32xf32, #tpu.memory_space<hbm>>
    %dma_start3A_597 = tpu.memref_squeeze %dma_start3A_596 : memref<1x100000x32xf32, #tpu.memory_space<hbm>> -> memref<100000x32xf32, #tpu.memory_space<hbm>>
    %dma_start3A_598 = arith.constant 0 : i32
    %dma_start3A_599 = arith.constant 0 : i32
    %dma_start3A_600 = tpu.memref_slice %dma_start3A_597[%dma_start3A_598, %dma_start3A_599] : memref<100000x32xf32, #tpu.memory_space<hbm>> -> memref<100000x32xf32, #tpu.memory_space<hbm>>
    tpu.enqueue_indirect_dma source(%dma_start3A_600 : memref<100000x32xf32, #tpu.memory_space<hbm>>) target(%arg7 : memref<128x32xf32, #tpu.memory_space<vmem>>) offsets(%dma_start3A_593 : memref<128xi32, #tpu.memory_space<vmem>>) semaphore(%arg9 : memref<!tpu.dma_semaphore, #tpu.memory_space<semaphore_mem>>)
    %dma_wait3A_601 = arith.constant 18 : i32
    %dma_wait3A_602 = arith.constant 18 : i32
    %dma_wait3A_603 = arith.constant 0 : i32
    %dma_wait3A_604 = tpu.memref_slice %arg5[%dma_wait3A_602, %dma_wait3A_603] : memref<26x128xi32, #tpu.memory_space<vmem>> -> memref<1x128xi32, #tpu.memory_space<vmem>>
    %dma_wait3A_605 = tpu.memref_squeeze %dma_wait3A_604 : memref<1x128xi32, #tpu.memory_space<vmem>> -> memref<128xi32, #tpu.memory_space<vmem>>
    %dma_wait3A_606 = arith.constant 0 : i32
    %dma_wait3A_607 = arith.constant 0 : i32
    %dma_wait3A_608 = tpu.memref_slice %arg2[%dma_wait3A_601, %dma_wait3A_606, %dma_wait3A_607] : memref<26x100000x32xf32, #tpu.memory_space<hbm>> -> memref<1x100000x32xf32, #tpu.memory_space<hbm>>
    %dma_wait3A_609 = tpu.memref_squeeze %dma_wait3A_608 : memref<1x100000x32xf32, #tpu.memory_space<hbm>> -> memref<100000x32xf32, #tpu.memory_space<hbm>>
    %dma_wait3A_610 = arith.constant 0 : i32
    %dma_wait3A_611 = arith.constant 0 : i32
    %dma_wait3A_612 = tpu.memref_slice %dma_wait3A_609[%dma_wait3A_610, %dma_wait3A_611] : memref<100000x32xf32, #tpu.memory_space<hbm>> -> memref<100000x32xf32, #tpu.memory_space<hbm>>
    tpu.wait_indirect_dma semaphore(%arg8 : memref<!tpu.dma_semaphore, #tpu.memory_space<semaphore_mem>>) src(%dma_wait3A_612 : memref<100000x32xf32, #tpu.memory_space<hbm>>) dst(%arg6 : memref<128x32xf32, #tpu.memory_space<vmem>>)
    %dma_start3A_613 = arith.constant 576 : i32
    %dma_start3A_614 = tpu.memref_slice %arg4[%mul3A_2, %dma_start3A_613] : memref<4096x832xf32, #tpu.memory_space<hbm>> -> memref<128x32xf32, #tpu.memory_space<hbm>>
    %dma_start3A_615 = arith.constant 576 : i32
    %dma_start3A_616 = tpu.memref_slice %arg4[%mul3A_2, %dma_start3A_615] : memref<4096x832xf32, #tpu.memory_space<hbm>> -> memref<128x32xf32, #tpu.memory_space<hbm>>
    tpu.enqueue_dma source(%arg6 : memref<128x32xf32, #tpu.memory_space<vmem>>) target(%dma_start3A_616 : memref<128x32xf32, #tpu.memory_space<hbm>>) target_semaphore(%arg10 : memref<!tpu.dma_semaphore, #tpu.memory_space<semaphore_mem>>)
    %dma_wait3A_617 = arith.constant 576 : i32
    %dma_wait3A_618 = tpu.memref_slice %arg4[%mul3A_2, %dma_wait3A_617] : memref<4096x832xf32, #tpu.memory_space<hbm>> -> memref<128x32xf32, #tpu.memory_space<hbm>>
    %dma_wait3A_619 = arith.constant 576 : i32
    %dma_wait3A_620 = tpu.memref_slice %arg4[%mul3A_2, %dma_wait3A_619] : memref<4096x832xf32, #tpu.memory_space<hbm>> -> memref<128x32xf32, #tpu.memory_space<hbm>>
    tpu.wait_dma2 semaphore(%arg10 : memref<!tpu.dma_semaphore, #tpu.memory_space<semaphore_mem>>) src(%arg6 : memref<128x32xf32, #tpu.memory_space<vmem>>) dst(%dma_wait3A_620 : memref<128x32xf32, #tpu.memory_space<hbm>>)
    %dma_start3A_621 = arith.constant 20 : i32
    %dma_start3A_622 = arith.constant 20 : i32
    %dma_start3A_623 = arith.constant 0 : i32
    %dma_start3A_624 = tpu.memref_slice %arg5[%dma_start3A_622, %dma_start3A_623] : memref<26x128xi32, #tpu.memory_space<vmem>> -> memref<1x128xi32, #tpu.memory_space<vmem>>
    %dma_start3A_625 = tpu.memref_squeeze %dma_start3A_624 : memref<1x128xi32, #tpu.memory_space<vmem>> -> memref<128xi32, #tpu.memory_space<vmem>>
    %dma_start3A_626 = arith.constant 0 : i32
    %dma_start3A_627 = arith.constant 0 : i32
    %dma_start3A_628 = tpu.memref_slice %arg2[%dma_start3A_621, %dma_start3A_626, %dma_start3A_627] : memref<26x100000x32xf32, #tpu.memory_space<hbm>> -> memref<1x100000x32xf32, #tpu.memory_space<hbm>>
    %dma_start3A_629 = tpu.memref_squeeze %dma_start3A_628 : memref<1x100000x32xf32, #tpu.memory_space<hbm>> -> memref<100000x32xf32, #tpu.memory_space<hbm>>
    %dma_start3A_630 = arith.constant 0 : i32
    %dma_start3A_631 = arith.constant 0 : i32
    %dma_start3A_632 = tpu.memref_slice %dma_start3A_629[%dma_start3A_630, %dma_start3A_631] : memref<100000x32xf32, #tpu.memory_space<hbm>> -> memref<100000x32xf32, #tpu.memory_space<hbm>>
    tpu.enqueue_indirect_dma source(%dma_start3A_632 : memref<100000x32xf32, #tpu.memory_space<hbm>>) target(%arg6 : memref<128x32xf32, #tpu.memory_space<vmem>>) offsets(%dma_start3A_625 : memref<128xi32, #tpu.memory_space<vmem>>) semaphore(%arg8 : memref<!tpu.dma_semaphore, #tpu.memory_space<semaphore_mem>>)
    %dma_wait3A_633 = arith.constant 19 : i32
    %dma_wait3A_634 = arith.constant 19 : i32
    %dma_wait3A_635 = arith.constant 0 : i32
    %dma_wait3A_636 = tpu.memref_slice %arg5[%dma_wait3A_634, %dma_wait3A_635] : memref<26x128xi32, #tpu.memory_space<vmem>> -> memref<1x128xi32, #tpu.memory_space<vmem>>
    %dma_wait3A_637 = tpu.memref_squeeze %dma_wait3A_636 : memref<1x128xi32, #tpu.memory_space<vmem>> -> memref<128xi32, #tpu.memory_space<vmem>>
    %dma_wait3A_638 = arith.constant 0 : i32
    %dma_wait3A_639 = arith.constant 0 : i32
    %dma_wait3A_640 = tpu.memref_slice %arg2[%dma_wait3A_633, %dma_wait3A_638, %dma_wait3A_639] : memref<26x100000x32xf32, #tpu.memory_space<hbm>> -> memref<1x100000x32xf32, #tpu.memory_space<hbm>>
    %dma_wait3A_641 = tpu.memref_squeeze %dma_wait3A_640 : memref<1x100000x32xf32, #tpu.memory_space<hbm>> -> memref<100000x32xf32, #tpu.memory_space<hbm>>
    %dma_wait3A_642 = arith.constant 0 : i32
    %dma_wait3A_643 = arith.constant 0 : i32
    %dma_wait3A_644 = tpu.memref_slice %dma_wait3A_641[%dma_wait3A_642, %dma_wait3A_643] : memref<100000x32xf32, #tpu.memory_space<hbm>> -> memref<100000x32xf32, #tpu.memory_space<hbm>>
    tpu.wait_indirect_dma semaphore(%arg9 : memref<!tpu.dma_semaphore, #tpu.memory_space<semaphore_mem>>) src(%dma_wait3A_644 : memref<100000x32xf32, #tpu.memory_space<hbm>>) dst(%arg7 : memref<128x32xf32, #tpu.memory_space<vmem>>)
    %dma_start3A_645 = arith.constant 608 : i32
    %dma_start3A_646 = tpu.memref_slice %arg4[%mul3A_2, %dma_start3A_645] : memref<4096x832xf32, #tpu.memory_space<hbm>> -> memref<128x32xf32, #tpu.memory_space<hbm>>
    %dma_start3A_647 = arith.constant 608 : i32
    %dma_start3A_648 = tpu.memref_slice %arg4[%mul3A_2, %dma_start3A_647] : memref<4096x832xf32, #tpu.memory_space<hbm>> -> memref<128x32xf32, #tpu.memory_space<hbm>>
    tpu.enqueue_dma source(%arg7 : memref<128x32xf32, #tpu.memory_space<vmem>>) target(%dma_start3A_648 : memref<128x32xf32, #tpu.memory_space<hbm>>) target_semaphore(%arg11 : memref<!tpu.dma_semaphore, #tpu.memory_space<semaphore_mem>>)
    %dma_wait3A_649 = arith.constant 608 : i32
    %dma_wait3A_650 = tpu.memref_slice %arg4[%mul3A_2, %dma_wait3A_649] : memref<4096x832xf32, #tpu.memory_space<hbm>> -> memref<128x32xf32, #tpu.memory_space<hbm>>
    %dma_wait3A_651 = arith.constant 608 : i32
    %dma_wait3A_652 = tpu.memref_slice %arg4[%mul3A_2, %dma_wait3A_651] : memref<4096x832xf32, #tpu.memory_space<hbm>> -> memref<128x32xf32, #tpu.memory_space<hbm>>
    tpu.wait_dma2 semaphore(%arg11 : memref<!tpu.dma_semaphore, #tpu.memory_space<semaphore_mem>>) src(%arg7 : memref<128x32xf32, #tpu.memory_space<vmem>>) dst(%dma_wait3A_652 : memref<128x32xf32, #tpu.memory_space<hbm>>)
    %dma_start3A_653 = arith.constant 21 : i32
    %dma_start3A_654 = arith.constant 21 : i32
    %dma_start3A_655 = arith.constant 0 : i32
    %dma_start3A_656 = tpu.memref_slice %arg5[%dma_start3A_654, %dma_start3A_655] : memref<26x128xi32, #tpu.memory_space<vmem>> -> memref<1x128xi32, #tpu.memory_space<vmem>>
    %dma_start3A_657 = tpu.memref_squeeze %dma_start3A_656 : memref<1x128xi32, #tpu.memory_space<vmem>> -> memref<128xi32, #tpu.memory_space<vmem>>
    %dma_start3A_658 = arith.constant 0 : i32
    %dma_start3A_659 = arith.constant 0 : i32
    %dma_start3A_660 = tpu.memref_slice %arg2[%dma_start3A_653, %dma_start3A_658, %dma_start3A_659] : memref<26x100000x32xf32, #tpu.memory_space<hbm>> -> memref<1x100000x32xf32, #tpu.memory_space<hbm>>
    %dma_start3A_661 = tpu.memref_squeeze %dma_start3A_660 : memref<1x100000x32xf32, #tpu.memory_space<hbm>> -> memref<100000x32xf32, #tpu.memory_space<hbm>>
    %dma_start3A_662 = arith.constant 0 : i32
    %dma_start3A_663 = arith.constant 0 : i32
    %dma_start3A_664 = tpu.memref_slice %dma_start3A_661[%dma_start3A_662, %dma_start3A_663] : memref<100000x32xf32, #tpu.memory_space<hbm>> -> memref<100000x32xf32, #tpu.memory_space<hbm>>
    tpu.enqueue_indirect_dma source(%dma_start3A_664 : memref<100000x32xf32, #tpu.memory_space<hbm>>) target(%arg7 : memref<128x32xf32, #tpu.memory_space<vmem>>) offsets(%dma_start3A_657 : memref<128xi32, #tpu.memory_space<vmem>>) semaphore(%arg9 : memref<!tpu.dma_semaphore, #tpu.memory_space<semaphore_mem>>)
    %dma_wait3A_665 = arith.constant 20 : i32
    %dma_wait3A_666 = arith.constant 20 : i32
    %dma_wait3A_667 = arith.constant 0 : i32
    %dma_wait3A_668 = tpu.memref_slice %arg5[%dma_wait3A_666, %dma_wait3A_667] : memref<26x128xi32, #tpu.memory_space<vmem>> -> memref<1x128xi32, #tpu.memory_space<vmem>>
    %dma_wait3A_669 = tpu.memref_squeeze %dma_wait3A_668 : memref<1x128xi32, #tpu.memory_space<vmem>> -> memref<128xi32, #tpu.memory_space<vmem>>
    %dma_wait3A_670 = arith.constant 0 : i32
    %dma_wait3A_671 = arith.constant 0 : i32
    %dma_wait3A_672 = tpu.memref_slice %arg2[%dma_wait3A_665, %dma_wait3A_670, %dma_wait3A_671] : memref<26x100000x32xf32, #tpu.memory_space<hbm>> -> memref<1x100000x32xf32, #tpu.memory_space<hbm>>
    %dma_wait3A_673 = tpu.memref_squeeze %dma_wait3A_672 : memref<1x100000x32xf32, #tpu.memory_space<hbm>> -> memref<100000x32xf32, #tpu.memory_space<hbm>>
    %dma_wait3A_674 = arith.constant 0 : i32
    %dma_wait3A_675 = arith.constant 0 : i32
    %dma_wait3A_676 = tpu.memref_slice %dma_wait3A_673[%dma_wait3A_674, %dma_wait3A_675] : memref<100000x32xf32, #tpu.memory_space<hbm>> -> memref<100000x32xf32, #tpu.memory_space<hbm>>
    tpu.wait_indirect_dma semaphore(%arg8 : memref<!tpu.dma_semaphore, #tpu.memory_space<semaphore_mem>>) src(%dma_wait3A_676 : memref<100000x32xf32, #tpu.memory_space<hbm>>) dst(%arg6 : memref<128x32xf32, #tpu.memory_space<vmem>>)
    %dma_start3A_677 = arith.constant 640 : i32
    %dma_start3A_678 = tpu.memref_slice %arg4[%mul3A_2, %dma_start3A_677] : memref<4096x832xf32, #tpu.memory_space<hbm>> -> memref<128x32xf32, #tpu.memory_space<hbm>>
    %dma_start3A_679 = arith.constant 640 : i32
    %dma_start3A_680 = tpu.memref_slice %arg4[%mul3A_2, %dma_start3A_679] : memref<4096x832xf32, #tpu.memory_space<hbm>> -> memref<128x32xf32, #tpu.memory_space<hbm>>
    tpu.enqueue_dma source(%arg6 : memref<128x32xf32, #tpu.memory_space<vmem>>) target(%dma_start3A_680 : memref<128x32xf32, #tpu.memory_space<hbm>>) target_semaphore(%arg10 : memref<!tpu.dma_semaphore, #tpu.memory_space<semaphore_mem>>)
    %dma_wait3A_681 = arith.constant 640 : i32
    %dma_wait3A_682 = tpu.memref_slice %arg4[%mul3A_2, %dma_wait3A_681] : memref<4096x832xf32, #tpu.memory_space<hbm>> -> memref<128x32xf32, #tpu.memory_space<hbm>>
    %dma_wait3A_683 = arith.constant 640 : i32
    %dma_wait3A_684 = tpu.memref_slice %arg4[%mul3A_2, %dma_wait3A_683] : memref<4096x832xf32, #tpu.memory_space<hbm>> -> memref<128x32xf32, #tpu.memory_space<hbm>>
    tpu.wait_dma2 semaphore(%arg10 : memref<!tpu.dma_semaphore, #tpu.memory_space<semaphore_mem>>) src(%arg6 : memref<128x32xf32, #tpu.memory_space<vmem>>) dst(%dma_wait3A_684 : memref<128x32xf32, #tpu.memory_space<hbm>>)
    %dma_start3A_685 = arith.constant 22 : i32
    %dma_start3A_686 = arith.constant 22 : i32
    %dma_start3A_687 = arith.constant 0 : i32
    %dma_start3A_688 = tpu.memref_slice %arg5[%dma_start3A_686, %dma_start3A_687] : memref<26x128xi32, #tpu.memory_space<vmem>> -> memref<1x128xi32, #tpu.memory_space<vmem>>
    %dma_start3A_689 = tpu.memref_squeeze %dma_start3A_688 : memref<1x128xi32, #tpu.memory_space<vmem>> -> memref<128xi32, #tpu.memory_space<vmem>>
    %dma_start3A_690 = arith.constant 0 : i32
    %dma_start3A_691 = arith.constant 0 : i32
    %dma_start3A_692 = tpu.memref_slice %arg2[%dma_start3A_685, %dma_start3A_690, %dma_start3A_691] : memref<26x100000x32xf32, #tpu.memory_space<hbm>> -> memref<1x100000x32xf32, #tpu.memory_space<hbm>>
    %dma_start3A_693 = tpu.memref_squeeze %dma_start3A_692 : memref<1x100000x32xf32, #tpu.memory_space<hbm>> -> memref<100000x32xf32, #tpu.memory_space<hbm>>
    %dma_start3A_694 = arith.constant 0 : i32
    %dma_start3A_695 = arith.constant 0 : i32
    %dma_start3A_696 = tpu.memref_slice %dma_start3A_693[%dma_start3A_694, %dma_start3A_695] : memref<100000x32xf32, #tpu.memory_space<hbm>> -> memref<100000x32xf32, #tpu.memory_space<hbm>>
    tpu.enqueue_indirect_dma source(%dma_start3A_696 : memref<100000x32xf32, #tpu.memory_space<hbm>>) target(%arg6 : memref<128x32xf32, #tpu.memory_space<vmem>>) offsets(%dma_start3A_689 : memref<128xi32, #tpu.memory_space<vmem>>) semaphore(%arg8 : memref<!tpu.dma_semaphore, #tpu.memory_space<semaphore_mem>>)
    %dma_wait3A_697 = arith.constant 21 : i32
    %dma_wait3A_698 = arith.constant 21 : i32
    %dma_wait3A_699 = arith.constant 0 : i32
    %dma_wait3A_700 = tpu.memref_slice %arg5[%dma_wait3A_698, %dma_wait3A_699] : memref<26x128xi32, #tpu.memory_space<vmem>> -> memref<1x128xi32, #tpu.memory_space<vmem>>
    %dma_wait3A_701 = tpu.memref_squeeze %dma_wait3A_700 : memref<1x128xi32, #tpu.memory_space<vmem>> -> memref<128xi32, #tpu.memory_space<vmem>>
    %dma_wait3A_702 = arith.constant 0 : i32
    %dma_wait3A_703 = arith.constant 0 : i32
    %dma_wait3A_704 = tpu.memref_slice %arg2[%dma_wait3A_697, %dma_wait3A_702, %dma_wait3A_703] : memref<26x100000x32xf32, #tpu.memory_space<hbm>> -> memref<1x100000x32xf32, #tpu.memory_space<hbm>>
    %dma_wait3A_705 = tpu.memref_squeeze %dma_wait3A_704 : memref<1x100000x32xf32, #tpu.memory_space<hbm>> -> memref<100000x32xf32, #tpu.memory_space<hbm>>
    %dma_wait3A_706 = arith.constant 0 : i32
    %dma_wait3A_707 = arith.constant 0 : i32
    %dma_wait3A_708 = tpu.memref_slice %dma_wait3A_705[%dma_wait3A_706, %dma_wait3A_707] : memref<100000x32xf32, #tpu.memory_space<hbm>> -> memref<100000x32xf32, #tpu.memory_space<hbm>>
    tpu.wait_indirect_dma semaphore(%arg9 : memref<!tpu.dma_semaphore, #tpu.memory_space<semaphore_mem>>) src(%dma_wait3A_708 : memref<100000x32xf32, #tpu.memory_space<hbm>>) dst(%arg7 : memref<128x32xf32, #tpu.memory_space<vmem>>)
    %dma_start3A_709 = arith.constant 672 : i32
    %dma_start3A_710 = tpu.memref_slice %arg4[%mul3A_2, %dma_start3A_709] : memref<4096x832xf32, #tpu.memory_space<hbm>> -> memref<128x32xf32, #tpu.memory_space<hbm>>
    %dma_start3A_711 = arith.constant 672 : i32
    %dma_start3A_712 = tpu.memref_slice %arg4[%mul3A_2, %dma_start3A_711] : memref<4096x832xf32, #tpu.memory_space<hbm>> -> memref<128x32xf32, #tpu.memory_space<hbm>>
    tpu.enqueue_dma source(%arg7 : memref<128x32xf32, #tpu.memory_space<vmem>>) target(%dma_start3A_712 : memref<128x32xf32, #tpu.memory_space<hbm>>) target_semaphore(%arg11 : memref<!tpu.dma_semaphore, #tpu.memory_space<semaphore_mem>>)
    %dma_wait3A_713 = arith.constant 672 : i32
    %dma_wait3A_714 = tpu.memref_slice %arg4[%mul3A_2, %dma_wait3A_713] : memref<4096x832xf32, #tpu.memory_space<hbm>> -> memref<128x32xf32, #tpu.memory_space<hbm>>
    %dma_wait3A_715 = arith.constant 672 : i32
    %dma_wait3A_716 = tpu.memref_slice %arg4[%mul3A_2, %dma_wait3A_715] : memref<4096x832xf32, #tpu.memory_space<hbm>> -> memref<128x32xf32, #tpu.memory_space<hbm>>
    tpu.wait_dma2 semaphore(%arg11 : memref<!tpu.dma_semaphore, #tpu.memory_space<semaphore_mem>>) src(%arg7 : memref<128x32xf32, #tpu.memory_space<vmem>>) dst(%dma_wait3A_716 : memref<128x32xf32, #tpu.memory_space<hbm>>)
    %dma_start3A_717 = arith.constant 23 : i32
    %dma_start3A_718 = arith.constant 23 : i32
    %dma_start3A_719 = arith.constant 0 : i32
    %dma_start3A_720 = tpu.memref_slice %arg5[%dma_start3A_718, %dma_start3A_719] : memref<26x128xi32, #tpu.memory_space<vmem>> -> memref<1x128xi32, #tpu.memory_space<vmem>>
    %dma_start3A_721 = tpu.memref_squeeze %dma_start3A_720 : memref<1x128xi32, #tpu.memory_space<vmem>> -> memref<128xi32, #tpu.memory_space<vmem>>
    %dma_start3A_722 = arith.constant 0 : i32
    %dma_start3A_723 = arith.constant 0 : i32
    %dma_start3A_724 = tpu.memref_slice %arg2[%dma_start3A_717, %dma_start3A_722, %dma_start3A_723] : memref<26x100000x32xf32, #tpu.memory_space<hbm>> -> memref<1x100000x32xf32, #tpu.memory_space<hbm>>
    %dma_start3A_725 = tpu.memref_squeeze %dma_start3A_724 : memref<1x100000x32xf32, #tpu.memory_space<hbm>> -> memref<100000x32xf32, #tpu.memory_space<hbm>>
    %dma_start3A_726 = arith.constant 0 : i32
    %dma_start3A_727 = arith.constant 0 : i32
    %dma_start3A_728 = tpu.memref_slice %dma_start3A_725[%dma_start3A_726, %dma_start3A_727] : memref<100000x32xf32, #tpu.memory_space<hbm>> -> memref<100000x32xf32, #tpu.memory_space<hbm>>
    tpu.enqueue_indirect_dma source(%dma_start3A_728 : memref<100000x32xf32, #tpu.memory_space<hbm>>) target(%arg7 : memref<128x32xf32, #tpu.memory_space<vmem>>) offsets(%dma_start3A_721 : memref<128xi32, #tpu.memory_space<vmem>>) semaphore(%arg9 : memref<!tpu.dma_semaphore, #tpu.memory_space<semaphore_mem>>)
    %dma_wait3A_729 = arith.constant 22 : i32
    %dma_wait3A_730 = arith.constant 22 : i32
    %dma_wait3A_731 = arith.constant 0 : i32
    %dma_wait3A_732 = tpu.memref_slice %arg5[%dma_wait3A_730, %dma_wait3A_731] : memref<26x128xi32, #tpu.memory_space<vmem>> -> memref<1x128xi32, #tpu.memory_space<vmem>>
    %dma_wait3A_733 = tpu.memref_squeeze %dma_wait3A_732 : memref<1x128xi32, #tpu.memory_space<vmem>> -> memref<128xi32, #tpu.memory_space<vmem>>
    %dma_wait3A_734 = arith.constant 0 : i32
    %dma_wait3A_735 = arith.constant 0 : i32
    %dma_wait3A_736 = tpu.memref_slice %arg2[%dma_wait3A_729, %dma_wait3A_734, %dma_wait3A_735] : memref<26x100000x32xf32, #tpu.memory_space<hbm>> -> memref<1x100000x32xf32, #tpu.memory_space<hbm>>
    %dma_wait3A_737 = tpu.memref_squeeze %dma_wait3A_736 : memref<1x100000x32xf32, #tpu.memory_space<hbm>> -> memref<100000x32xf32, #tpu.memory_space<hbm>>
    %dma_wait3A_738 = arith.constant 0 : i32
    %dma_wait3A_739 = arith.constant 0 : i32
    %dma_wait3A_740 = tpu.memref_slice %dma_wait3A_737[%dma_wait3A_738, %dma_wait3A_739] : memref<100000x32xf32, #tpu.memory_space<hbm>> -> memref<100000x32xf32, #tpu.memory_space<hbm>>
    tpu.wait_indirect_dma semaphore(%arg8 : memref<!tpu.dma_semaphore, #tpu.memory_space<semaphore_mem>>) src(%dma_wait3A_740 : memref<100000x32xf32, #tpu.memory_space<hbm>>) dst(%arg6 : memref<128x32xf32, #tpu.memory_space<vmem>>)
    %dma_start3A_741 = arith.constant 704 : i32
    %dma_start3A_742 = tpu.memref_slice %arg4[%mul3A_2, %dma_start3A_741] : memref<4096x832xf32, #tpu.memory_space<hbm>> -> memref<128x32xf32, #tpu.memory_space<hbm>>
    %dma_start3A_743 = arith.constant 704 : i32
    %dma_start3A_744 = tpu.memref_slice %arg4[%mul3A_2, %dma_start3A_743] : memref<4096x832xf32, #tpu.memory_space<hbm>> -> memref<128x32xf32, #tpu.memory_space<hbm>>
    tpu.enqueue_dma source(%arg6 : memref<128x32xf32, #tpu.memory_space<vmem>>) target(%dma_start3A_744 : memref<128x32xf32, #tpu.memory_space<hbm>>) target_semaphore(%arg10 : memref<!tpu.dma_semaphore, #tpu.memory_space<semaphore_mem>>)
    %dma_wait3A_745 = arith.constant 704 : i32
    %dma_wait3A_746 = tpu.memref_slice %arg4[%mul3A_2, %dma_wait3A_745] : memref<4096x832xf32, #tpu.memory_space<hbm>> -> memref<128x32xf32, #tpu.memory_space<hbm>>
    %dma_wait3A_747 = arith.constant 704 : i32
    %dma_wait3A_748 = tpu.memref_slice %arg4[%mul3A_2, %dma_wait3A_747] : memref<4096x832xf32, #tpu.memory_space<hbm>> -> memref<128x32xf32, #tpu.memory_space<hbm>>
    tpu.wait_dma2 semaphore(%arg10 : memref<!tpu.dma_semaphore, #tpu.memory_space<semaphore_mem>>) src(%arg6 : memref<128x32xf32, #tpu.memory_space<vmem>>) dst(%dma_wait3A_748 : memref<128x32xf32, #tpu.memory_space<hbm>>)
    %dma_start3A_749 = arith.constant 24 : i32
    %dma_start3A_750 = arith.constant 24 : i32
    %dma_start3A_751 = arith.constant 0 : i32
    %dma_start3A_752 = tpu.memref_slice %arg5[%dma_start3A_750, %dma_start3A_751] : memref<26x128xi32, #tpu.memory_space<vmem>> -> memref<1x128xi32, #tpu.memory_space<vmem>>
    %dma_start3A_753 = tpu.memref_squeeze %dma_start3A_752 : memref<1x128xi32, #tpu.memory_space<vmem>> -> memref<128xi32, #tpu.memory_space<vmem>>
    %dma_start3A_754 = arith.constant 0 : i32
    %dma_start3A_755 = arith.constant 0 : i32
    %dma_start3A_756 = tpu.memref_slice %arg2[%dma_start3A_749, %dma_start3A_754, %dma_start3A_755] : memref<26x100000x32xf32, #tpu.memory_space<hbm>> -> memref<1x100000x32xf32, #tpu.memory_space<hbm>>
    %dma_start3A_757 = tpu.memref_squeeze %dma_start3A_756 : memref<1x100000x32xf32, #tpu.memory_space<hbm>> -> memref<100000x32xf32, #tpu.memory_space<hbm>>
    %dma_start3A_758 = arith.constant 0 : i32
    %dma_start3A_759 = arith.constant 0 : i32
    %dma_start3A_760 = tpu.memref_slice %dma_start3A_757[%dma_start3A_758, %dma_start3A_759] : memref<100000x32xf32, #tpu.memory_space<hbm>> -> memref<100000x32xf32, #tpu.memory_space<hbm>>
    tpu.enqueue_indirect_dma source(%dma_start3A_760 : memref<100000x32xf32, #tpu.memory_space<hbm>>) target(%arg6 : memref<128x32xf32, #tpu.memory_space<vmem>>) offsets(%dma_start3A_753 : memref<128xi32, #tpu.memory_space<vmem>>) semaphore(%arg8 : memref<!tpu.dma_semaphore, #tpu.memory_space<semaphore_mem>>)
    %dma_wait3A_761 = arith.constant 23 : i32
    %dma_wait3A_762 = arith.constant 23 : i32
    %dma_wait3A_763 = arith.constant 0 : i32
    %dma_wait3A_764 = tpu.memref_slice %arg5[%dma_wait3A_762, %dma_wait3A_763] : memref<26x128xi32, #tpu.memory_space<vmem>> -> memref<1x128xi32, #tpu.memory_space<vmem>>
    %dma_wait3A_765 = tpu.memref_squeeze %dma_wait3A_764 : memref<1x128xi32, #tpu.memory_space<vmem>> -> memref<128xi32, #tpu.memory_space<vmem>>
    %dma_wait3A_766 = arith.constant 0 : i32
    %dma_wait3A_767 = arith.constant 0 : i32
    %dma_wait3A_768 = tpu.memref_slice %arg2[%dma_wait3A_761, %dma_wait3A_766, %dma_wait3A_767] : memref<26x100000x32xf32, #tpu.memory_space<hbm>> -> memref<1x100000x32xf32, #tpu.memory_space<hbm>>
    %dma_wait3A_769 = tpu.memref_squeeze %dma_wait3A_768 : memref<1x100000x32xf32, #tpu.memory_space<hbm>> -> memref<100000x32xf32, #tpu.memory_space<hbm>>
    %dma_wait3A_770 = arith.constant 0 : i32
    %dma_wait3A_771 = arith.constant 0 : i32
    %dma_wait3A_772 = tpu.memref_slice %dma_wait3A_769[%dma_wait3A_770, %dma_wait3A_771] : memref<100000x32xf32, #tpu.memory_space<hbm>> -> memref<100000x32xf32, #tpu.memory_space<hbm>>
    tpu.wait_indirect_dma semaphore(%arg9 : memref<!tpu.dma_semaphore, #tpu.memory_space<semaphore_mem>>) src(%dma_wait3A_772 : memref<100000x32xf32, #tpu.memory_space<hbm>>) dst(%arg7 : memref<128x32xf32, #tpu.memory_space<vmem>>)
    %dma_start3A_773 = arith.constant 736 : i32
    %dma_start3A_774 = tpu.memref_slice %arg4[%mul3A_2, %dma_start3A_773] : memref<4096x832xf32, #tpu.memory_space<hbm>> -> memref<128x32xf32, #tpu.memory_space<hbm>>
    %dma_start3A_775 = arith.constant 736 : i32
    %dma_start3A_776 = tpu.memref_slice %arg4[%mul3A_2, %dma_start3A_775] : memref<4096x832xf32, #tpu.memory_space<hbm>> -> memref<128x32xf32, #tpu.memory_space<hbm>>
    tpu.enqueue_dma source(%arg7 : memref<128x32xf32, #tpu.memory_space<vmem>>) target(%dma_start3A_776 : memref<128x32xf32, #tpu.memory_space<hbm>>) target_semaphore(%arg11 : memref<!tpu.dma_semaphore, #tpu.memory_space<semaphore_mem>>)
    %dma_wait3A_777 = arith.constant 736 : i32
    %dma_wait3A_778 = tpu.memref_slice %arg4[%mul3A_2, %dma_wait3A_777] : memref<4096x832xf32, #tpu.memory_space<hbm>> -> memref<128x32xf32, #tpu.memory_space<hbm>>
    %dma_wait3A_779 = arith.constant 736 : i32
    %dma_wait3A_780 = tpu.memref_slice %arg4[%mul3A_2, %dma_wait3A_779] : memref<4096x832xf32, #tpu.memory_space<hbm>> -> memref<128x32xf32, #tpu.memory_space<hbm>>
    tpu.wait_dma2 semaphore(%arg11 : memref<!tpu.dma_semaphore, #tpu.memory_space<semaphore_mem>>) src(%arg7 : memref<128x32xf32, #tpu.memory_space<vmem>>) dst(%dma_wait3A_780 : memref<128x32xf32, #tpu.memory_space<hbm>>)
    %dma_start3A_781 = arith.constant 25 : i32
    %dma_start3A_782 = arith.constant 25 : i32
    %dma_start3A_783 = arith.constant 0 : i32
    %dma_start3A_784 = tpu.memref_slice %arg5[%dma_start3A_782, %dma_start3A_783] : memref<26x128xi32, #tpu.memory_space<vmem>> -> memref<1x128xi32, #tpu.memory_space<vmem>>
    %dma_start3A_785 = tpu.memref_squeeze %dma_start3A_784 : memref<1x128xi32, #tpu.memory_space<vmem>> -> memref<128xi32, #tpu.memory_space<vmem>>
    %dma_start3A_786 = arith.constant 0 : i32
    %dma_start3A_787 = arith.constant 0 : i32
    %dma_start3A_788 = tpu.memref_slice %arg2[%dma_start3A_781, %dma_start3A_786, %dma_start3A_787] : memref<26x100000x32xf32, #tpu.memory_space<hbm>> -> memref<1x100000x32xf32, #tpu.memory_space<hbm>>
    %dma_start3A_789 = tpu.memref_squeeze %dma_start3A_788 : memref<1x100000x32xf32, #tpu.memory_space<hbm>> -> memref<100000x32xf32, #tpu.memory_space<hbm>>
    %dma_start3A_790 = arith.constant 0 : i32
    %dma_start3A_791 = arith.constant 0 : i32
    %dma_start3A_792 = tpu.memref_slice %dma_start3A_789[%dma_start3A_790, %dma_start3A_791] : memref<100000x32xf32, #tpu.memory_space<hbm>> -> memref<100000x32xf32, #tpu.memory_space<hbm>>
    tpu.enqueue_indirect_dma source(%dma_start3A_792 : memref<100000x32xf32, #tpu.memory_space<hbm>>) target(%arg7 : memref<128x32xf32, #tpu.memory_space<vmem>>) offsets(%dma_start3A_785 : memref<128xi32, #tpu.memory_space<vmem>>) semaphore(%arg9 : memref<!tpu.dma_semaphore, #tpu.memory_space<semaphore_mem>>)
    %dma_wait3A_793 = arith.constant 24 : i32
    %dma_wait3A_794 = arith.constant 24 : i32
    %dma_wait3A_795 = arith.constant 0 : i32
    %dma_wait3A_796 = tpu.memref_slice %arg5[%dma_wait3A_794, %dma_wait3A_795] : memref<26x128xi32, #tpu.memory_space<vmem>> -> memref<1x128xi32, #tpu.memory_space<vmem>>
    %dma_wait3A_797 = tpu.memref_squeeze %dma_wait3A_796 : memref<1x128xi32, #tpu.memory_space<vmem>> -> memref<128xi32, #tpu.memory_space<vmem>>
    %dma_wait3A_798 = arith.constant 0 : i32
    %dma_wait3A_799 = arith.constant 0 : i32
    %dma_wait3A_800 = tpu.memref_slice %arg2[%dma_wait3A_793, %dma_wait3A_798, %dma_wait3A_799] : memref<26x100000x32xf32, #tpu.memory_space<hbm>> -> memref<1x100000x32xf32, #tpu.memory_space<hbm>>
    %dma_wait3A_801 = tpu.memref_squeeze %dma_wait3A_800 : memref<1x100000x32xf32, #tpu.memory_space<hbm>> -> memref<100000x32xf32, #tpu.memory_space<hbm>>
    %dma_wait3A_802 = arith.constant 0 : i32
    %dma_wait3A_803 = arith.constant 0 : i32
    %dma_wait3A_804 = tpu.memref_slice %dma_wait3A_801[%dma_wait3A_802, %dma_wait3A_803] : memref<100000x32xf32, #tpu.memory_space<hbm>> -> memref<100000x32xf32, #tpu.memory_space<hbm>>
    tpu.wait_indirect_dma semaphore(%arg8 : memref<!tpu.dma_semaphore, #tpu.memory_space<semaphore_mem>>) src(%dma_wait3A_804 : memref<100000x32xf32, #tpu.memory_space<hbm>>) dst(%arg6 : memref<128x32xf32, #tpu.memory_space<vmem>>)
    %dma_start3A_805 = arith.constant 768 : i32
    %dma_start3A_806 = tpu.memref_slice %arg4[%mul3A_2, %dma_start3A_805] : memref<4096x832xf32, #tpu.memory_space<hbm>> -> memref<128x32xf32, #tpu.memory_space<hbm>>
    %dma_start3A_807 = arith.constant 768 : i32
    %dma_start3A_808 = tpu.memref_slice %arg4[%mul3A_2, %dma_start3A_807] : memref<4096x832xf32, #tpu.memory_space<hbm>> -> memref<128x32xf32, #tpu.memory_space<hbm>>
    tpu.enqueue_dma source(%arg6 : memref<128x32xf32, #tpu.memory_space<vmem>>) target(%dma_start3A_808 : memref<128x32xf32, #tpu.memory_space<hbm>>) target_semaphore(%arg10 : memref<!tpu.dma_semaphore, #tpu.memory_space<semaphore_mem>>)
    %dma_wait3A_809 = arith.constant 25 : i32
    %dma_wait3A_810 = arith.constant 25 : i32
    %dma_wait3A_811 = arith.constant 0 : i32
    %dma_wait3A_812 = tpu.memref_slice %arg5[%dma_wait3A_810, %dma_wait3A_811] : memref<26x128xi32, #tpu.memory_space<vmem>> -> memref<1x128xi32, #tpu.memory_space<vmem>>
    %dma_wait3A_813 = tpu.memref_squeeze %dma_wait3A_812 : memref<1x128xi32, #tpu.memory_space<vmem>> -> memref<128xi32, #tpu.memory_space<vmem>>
    %dma_wait3A_814 = arith.constant 0 : i32
    %dma_wait3A_815 = arith.constant 0 : i32
    %dma_wait3A_816 = tpu.memref_slice %arg2[%dma_wait3A_809, %dma_wait3A_814, %dma_wait3A_815] : memref<26x100000x32xf32, #tpu.memory_space<hbm>> -> memref<1x100000x32xf32, #tpu.memory_space<hbm>>
    %dma_wait3A_817 = tpu.memref_squeeze %dma_wait3A_816 : memref<1x100000x32xf32, #tpu.memory_space<hbm>> -> memref<100000x32xf32, #tpu.memory_space<hbm>>
    %dma_wait3A_818 = arith.constant 0 : i32
    %dma_wait3A_819 = arith.constant 0 : i32
    %dma_wait3A_820 = tpu.memref_slice %dma_wait3A_817[%dma_wait3A_818, %dma_wait3A_819] : memref<100000x32xf32, #tpu.memory_space<hbm>> -> memref<100000x32xf32, #tpu.memory_space<hbm>>
    tpu.wait_indirect_dma semaphore(%arg9 : memref<!tpu.dma_semaphore, #tpu.memory_space<semaphore_mem>>) src(%dma_wait3A_820 : memref<100000x32xf32, #tpu.memory_space<hbm>>) dst(%arg7 : memref<128x32xf32, #tpu.memory_space<vmem>>)
    %dma_start3A_821 = arith.constant 800 : i32
    %dma_start3A_822 = tpu.memref_slice %arg4[%mul3A_2, %dma_start3A_821] : memref<4096x832xf32, #tpu.memory_space<hbm>> -> memref<128x32xf32, #tpu.memory_space<hbm>>
    %dma_start3A_823 = arith.constant 800 : i32
    %dma_start3A_824 = tpu.memref_slice %arg4[%mul3A_2, %dma_start3A_823] : memref<4096x832xf32, #tpu.memory_space<hbm>> -> memref<128x32xf32, #tpu.memory_space<hbm>>
    tpu.enqueue_dma source(%arg7 : memref<128x32xf32, #tpu.memory_space<vmem>>) target(%dma_start3A_824 : memref<128x32xf32, #tpu.memory_space<hbm>>) target_semaphore(%arg11 : memref<!tpu.dma_semaphore, #tpu.memory_space<semaphore_mem>>)
    %dma_wait3A_825 = arith.constant 768 : i32
    %dma_wait3A_826 = tpu.memref_slice %arg4[%mul3A_2, %dma_wait3A_825] : memref<4096x832xf32, #tpu.memory_space<hbm>> -> memref<128x32xf32, #tpu.memory_space<hbm>>
    %dma_wait3A_827 = arith.constant 768 : i32
    %dma_wait3A_828 = tpu.memref_slice %arg4[%mul3A_2, %dma_wait3A_827] : memref<4096x832xf32, #tpu.memory_space<hbm>> -> memref<128x32xf32, #tpu.memory_space<hbm>>
    tpu.wait_dma2 semaphore(%arg10 : memref<!tpu.dma_semaphore, #tpu.memory_space<semaphore_mem>>) src(%arg6 : memref<128x32xf32, #tpu.memory_space<vmem>>) dst(%dma_wait3A_828 : memref<128x32xf32, #tpu.memory_space<hbm>>)
    %dma_wait3A_829 = arith.constant 800 : i32
    %dma_wait3A_830 = tpu.memref_slice %arg4[%mul3A_2, %dma_wait3A_829] : memref<4096x832xf32, #tpu.memory_space<hbm>> -> memref<128x32xf32, #tpu.memory_space<hbm>>
    %dma_wait3A_831 = arith.constant 800 : i32
    %dma_wait3A_832 = tpu.memref_slice %arg4[%mul3A_2, %dma_wait3A_831] : memref<4096x832xf32, #tpu.memory_space<hbm>> -> memref<128x32xf32, #tpu.memory_space<hbm>>
    tpu.wait_dma2 semaphore(%arg11 : memref<!tpu.dma_semaphore, #tpu.memory_space<semaphore_mem>>) src(%arg7 : memref<128x32xf32, #tpu.memory_space<vmem>>) dst(%dma_wait3A_832 : memref<128x32xf32, #tpu.memory_space<hbm>>)
    return
  }
}

module attributes {stable_mosaic.version = 14 : i64} {
  func.func @_tc_body(%arg0: i32, %arg1: memref<512x13xf32, #tpu.memory_space<vmem>>, %arg2: memref<512x832xf32, #tpu.memory_space<vmem>>, %arg3: memref<13x1xf32, #tpu.memory_space<vmem>>, %arg4: memref<1x1xf32, #tpu.memory_space<vmem>>, %arg5: memref<13x1024xf32, #tpu.memory_space<vmem>>, %arg6: memref<832x1024xf32, #tpu.memory_space<vmem>>, %arg7: memref<1x1024xf32, #tpu.memory_space<vmem>>, %arg8: memref<1024x1024xf32, #tpu.memory_space<vmem>>, %arg9: memref<1x1024xf32, #tpu.memory_space<vmem>>, %arg10: memref<1024x512xf32, #tpu.memory_space<vmem>>, %arg11: memref<1x512xf32, #tpu.memory_space<vmem>>, %arg12: memref<512x32xf32, #tpu.memory_space<vmem>>, %arg13: memref<1x32xf32, #tpu.memory_space<vmem>>, %arg14: memref<512x32xf32, #tpu.memory_space<vmem>>) attributes {dimension_semantics = [#tpu.dimension_semantics<arbitrary>], iteration_bounds = array<i64: 8>, scalar_prefetch = 0 : i64, scratch_operands = 0 : i64, tpu.core_type = #tpu.core_type<tc>, window_params = [{transform_indices = @transform_0, window_bounds = array<i64: 512, 13>}, {transform_indices = @transform_1, window_bounds = array<i64: 512, 832>}, {pipeline_mode = #tpu.pipeline_mode<synchronous>, transform_indices = @transform_2, window_bounds = array<i64: 13, 1>}, {pipeline_mode = #tpu.pipeline_mode<synchronous>, transform_indices = @transform_3, window_bounds = array<i64: 1, 1>}, {pipeline_mode = #tpu.pipeline_mode<synchronous>, transform_indices = @transform_4, window_bounds = array<i64: 13, 1024>}, {pipeline_mode = #tpu.pipeline_mode<synchronous>, transform_indices = @transform_5, window_bounds = array<i64: 832, 1024>}, {pipeline_mode = #tpu.pipeline_mode<synchronous>, transform_indices = @transform_6, window_bounds = array<i64: 1, 1024>}, {pipeline_mode = #tpu.pipeline_mode<synchronous>, transform_indices = @transform_7, window_bounds = array<i64: 1024, 1024>}, {pipeline_mode = #tpu.pipeline_mode<synchronous>, transform_indices = @transform_8, window_bounds = array<i64: 1, 1024>}, {pipeline_mode = #tpu.pipeline_mode<synchronous>, transform_indices = @transform_9, window_bounds = array<i64: 1024, 512>}, {pipeline_mode = #tpu.pipeline_mode<synchronous>, transform_indices = @transform_10, window_bounds = array<i64: 1, 512>}, {pipeline_mode = #tpu.pipeline_mode<synchronous>, transform_indices = @transform_11, window_bounds = array<i64: 512, 32>}, {pipeline_mode = #tpu.pipeline_mode<synchronous>, transform_indices = @transform_12, window_bounds = array<i64: 1, 32>}, {transform_indices = @transform_13, window_bounds = array<i64: 512, 32>}]} {
    %get3A = arith.constant 0 : index
    %get3A_0 = arith.constant 0 : index
    %get3A_1 = vector.load %arg1[%get3A, %get3A_0] : memref<512x13xf32, #tpu.memory_space<vmem>>, vector<512x13xf32>
    %get3A_2 = arith.constant 0 : index
    %get3A_3 = arith.constant 0 : index
    %get3A_4 = vector.load %arg2[%get3A_2, %get3A_3] : memref<512x832xf32, #tpu.memory_space<vmem>>, vector<512x832xf32>
    %get3A_5 = arith.constant 0 : index
    %get3A_6 = arith.constant 0 : index
    %get3A_7 = vector.load %arg6[%get3A_5, %get3A_6] : memref<832x1024xf32, #tpu.memory_space<vmem>>, vector<832x1024xf32>
    %dot_general3A = arith.constant dense<0.000000e+00> : vector<512x1024xf32>
    %dot_general3A_8 = tpu.matmul %get3A_4, %get3A_7, %dot_general3A {dimension_numbers = #tpu.dot_dimension_numbers<[1], [0], [0], [1], [0, 0, 1, 1], [], []>, transpose_lhs_hint = false} : vector<512x832xf32>, vector<832x1024xf32>, vector<512x1024xf32> -> vector<512x1024xf32>
    %get3A_9 = arith.constant 0 : index
    %get3A_10 = arith.constant 0 : index
    %get3A_11 = vector.load %arg5[%get3A_9, %get3A_10] : memref<13x1024xf32, #tpu.memory_space<vmem>>, vector<13x1024xf32>
    %dot_general3A_12 = arith.constant dense<0.000000e+00> : vector<512x1024xf32>
    %dot_general3A_13 = tpu.matmul %get3A_1, %get3A_11, %dot_general3A_12 {dimension_numbers = #tpu.dot_dimension_numbers<[1], [0], [0], [1], [0, 0, 1, 1], [], []>, transpose_lhs_hint = false} : vector<512x13xf32>, vector<13x1024xf32>, vector<512x1024xf32> -> vector<512x1024xf32>
    %add3A = arith.addf %dot_general3A_8, %dot_general3A_13 : vector<512x1024xf32>
    %get3A_14 = arith.constant 0 : index
    %get3A_15 = arith.constant 0 : index
    %get3A_16 = vector.load %arg7[%get3A_14, %get3A_15] : memref<1x1024xf32, #tpu.memory_space<vmem>>, vector<1x1024xf32>
    %add3A_17 = vector.broadcast %get3A_16 : vector<1x1024xf32> to vector<512x1024xf32>
    %add3A_18 = arith.addf %add3A, %add3A_17 : vector<512x1024xf32>
    %max3A = arith.constant 0.000000e+00 : f32
    %max3A_19 = vector.broadcast %max3A : f32 to vector<512x1024xf32>
    %max3A_20 = arith.maximumf %add3A_18, %max3A_19 : vector<512x1024xf32>
    %get3A_21 = arith.constant 0 : index
    %get3A_22 = arith.constant 0 : index
    %get3A_23 = vector.load %arg8[%get3A_21, %get3A_22] : memref<1024x1024xf32, #tpu.memory_space<vmem>>, vector<1024x1024xf32>
    %dot_general3A_24 = arith.constant dense<0.000000e+00> : vector<512x1024xf32>
    %dot_general3A_25 = tpu.matmul %max3A_20, %get3A_23, %dot_general3A_24 {dimension_numbers = #tpu.dot_dimension_numbers<[1], [0], [0], [1], [0, 0, 1, 1], [], []>, transpose_lhs_hint = false} : vector<512x1024xf32>, vector<1024x1024xf32>, vector<512x1024xf32> -> vector<512x1024xf32>
    %get3A_26 = arith.constant 0 : index
    %get3A_27 = arith.constant 0 : index
    %get3A_28 = vector.load %arg9[%get3A_26, %get3A_27] : memref<1x1024xf32, #tpu.memory_space<vmem>>, vector<1x1024xf32>
    %add3A_29 = vector.broadcast %get3A_28 : vector<1x1024xf32> to vector<512x1024xf32>
    %add3A_30 = arith.addf %dot_general3A_25, %add3A_29 : vector<512x1024xf32>
    %max3A_31 = arith.constant 0.000000e+00 : f32
    %max3A_32 = vector.broadcast %max3A_31 : f32 to vector<512x1024xf32>
    %max3A_33 = arith.maximumf %add3A_30, %max3A_32 : vector<512x1024xf32>
    %get3A_34 = arith.constant 0 : index
    %get3A_35 = arith.constant 0 : index
    %get3A_36 = vector.load %arg10[%get3A_34, %get3A_35] : memref<1024x512xf32, #tpu.memory_space<vmem>>, vector<1024x512xf32>
    %dot_general3A_37 = arith.constant dense<0.000000e+00> : vector<512x512xf32>
    %dot_general3A_38 = tpu.matmul %max3A_33, %get3A_36, %dot_general3A_37 {dimension_numbers = #tpu.dot_dimension_numbers<[1], [0], [0], [1], [0, 0, 1, 1], [], []>, transpose_lhs_hint = false} : vector<512x1024xf32>, vector<1024x512xf32>, vector<512x512xf32> -> vector<512x512xf32>
    %get3A_39 = arith.constant 0 : index
    %get3A_40 = arith.constant 0 : index
    %get3A_41 = vector.load %arg11[%get3A_39, %get3A_40] : memref<1x512xf32, #tpu.memory_space<vmem>>, vector<1x512xf32>
    %add3A_42 = vector.broadcast %get3A_41 : vector<1x512xf32> to vector<512x512xf32>
    %add3A_43 = arith.addf %dot_general3A_38, %add3A_42 : vector<512x512xf32>
    %max3A_44 = arith.constant 0.000000e+00 : f32
    %max3A_45 = vector.broadcast %max3A_44 : f32 to vector<512x512xf32>
    %max3A_46 = arith.maximumf %add3A_43, %max3A_45 : vector<512x512xf32>
    %get3A_47 = arith.constant 0 : index
    %get3A_48 = arith.constant 0 : index
    %get3A_49 = vector.load %arg12[%get3A_47, %get3A_48] : memref<512x32xf32, #tpu.memory_space<vmem>>, vector<512x32xf32>
    %dot_general3A_50 = arith.constant dense<0.000000e+00> : vector<512x32xf32>
    %dot_general3A_51 = tpu.matmul %max3A_46, %get3A_49, %dot_general3A_50 {dimension_numbers = #tpu.dot_dimension_numbers<[1], [0], [0], [1], [0, 0, 1, 1], [], []>, transpose_lhs_hint = false} : vector<512x512xf32>, vector<512x32xf32>, vector<512x32xf32> -> vector<512x32xf32>
    %get3A_52 = arith.constant 0 : index
    %get3A_53 = arith.constant 0 : index
    %get3A_54 = vector.load %arg13[%get3A_52, %get3A_53] : memref<1x32xf32, #tpu.memory_space<vmem>>, vector<1x32xf32>
    %add3A_55 = vector.broadcast %get3A_54 : vector<1x32xf32> to vector<512x32xf32>
    %add3A_56 = arith.addf %dot_general3A_51, %add3A_55 : vector<512x32xf32>
    %get3A_57 = arith.constant 0 : index
    %get3A_58 = arith.constant 0 : index
    %get3A_59 = vector.load %arg3[%get3A_57, %get3A_58] : memref<13x1xf32, #tpu.memory_space<vmem>>, vector<13x1xf32>
    %dot_general3A_60 = arith.constant dense<0.000000e+00> : vector<512x1xf32>
    %dot_general3A_61 = tpu.matmul %get3A_1, %get3A_59, %dot_general3A_60 {dimension_numbers = #tpu.dot_dimension_numbers<[1], [0], [0], [1], [0, 0, 1, 1], [], []>, transpose_lhs_hint = false} : vector<512x13xf32>, vector<13x1xf32>, vector<512x1xf32> -> vector<512x1xf32>
    %get3A_62 = arith.constant 0 : index
    %get3A_63 = arith.constant 0 : index
    %get3A_64 = vector.load %arg4[%get3A_62, %get3A_63] : memref<1x1xf32, #tpu.memory_space<vmem>>, vector<1x1xf32>
    %add3A_65 = vector.broadcast %get3A_64 : vector<1x1xf32> to vector<512x1xf32>
    %add3A_66 = arith.addf %dot_general3A_61, %add3A_65 : vector<512x1xf32>
    %max3A_67 = arith.constant 0.000000e+00 : f32
    %max3A_68 = vector.broadcast %max3A_67 : f32 to vector<512x1xf32>
    %max3A_69 = arith.maximumf %add3A_66, %max3A_68 : vector<512x1xf32>
    %iota3A = tpu.iota {dimensions = array<i32: 0>} : vector<832x32xi32>
    %iota3A_70 = tpu.iota {dimensions = array<i32: 1>} : vector<832x32xi32>
    %jit3A = arith.constant 32 : i32
    %eq3A = arith.constant 0 : i32
    %eq3A_71 = arith.cmpi eq, %jit3A, %eq3A : i32
    %jit3A_72 = arith.constant 1 : i32
    %select_n3A = arith.select %eq3A_71, %jit3A_72, %jit3A : i32
    %rem3A = vector.broadcast %select_n3A : i32 to vector<832x32xi32>
    %rem3A_73 = arith.remsi %iota3A, %rem3A : vector<832x32xi32>
    %ne3A = arith.constant 0 : i32
    %ne3A_74 = vector.broadcast %ne3A : i32 to vector<832x32xi32>
    %ne3A_75 = arith.cmpi ne, %rem3A_73, %ne3A_74 : vector<832x32xi32>
    %lt3A = arith.constant 0 : i32
    %lt3A_76 = vector.broadcast %lt3A : i32 to vector<832x32xi32>
    %lt3A_77 = arith.cmpi slt, %rem3A_73, %lt3A_76 : vector<832x32xi32>
    %lt3A_78 = arith.constant 0 : i32
    %lt3A_79 = arith.cmpi slt, %select_n3A, %lt3A_78 : i32
    %ne3A_80 = vector.broadcast %lt3A_79 : i1 to vector<832x32xi1>
    %ne3A_81 = vector.broadcast %ne3A_80 : vector<832x32xi1> to vector<832x32xi1>
    %ne3A_82 = arith.xori %lt3A_77, %ne3A_81 : vector<832x32xi1>
    %and3A = arith.andi %ne3A_82, %ne3A_75 : vector<832x32xi1>
    %add3A_83 = vector.broadcast %select_n3A : i32 to vector<832x32xi32>
    %add3A_84 = arith.addi %rem3A_73, %add3A_83 : vector<832x32xi32>
    %select_n3A_85 = arith.select %and3A, %add3A_84, %rem3A_73 : vector<832x32xi1>, vector<832x32xi32>
    %eq3A_86 = arith.cmpi eq, %select_n3A_85, %iota3A_70 : vector<832x32xi32>
    %convert_element_type3A = arith.extui %eq3A_86 : vector<832x32xi1> to vector<832x32xi32>
    %convert_element_type3A_87 = arith.sitofp %convert_element_type3A : vector<832x32xi32> to vector<832x32xf32>
    %dot_general3A_88 = arith.constant dense<0.000000e+00> : vector<512x32xf32>
    %dot_general3A_89 = tpu.matmul %get3A_4, %convert_element_type3A_87, %dot_general3A_88 {dimension_numbers = #tpu.dot_dimension_numbers<[1], [0], [0], [1], [0, 0, 1, 1], [], []>, transpose_lhs_hint = false} : vector<512x832xf32>, vector<832x32xf32>, vector<512x32xf32> -> vector<512x32xf32>
    %add3A_90 = arith.addf %add3A_56, %dot_general3A_89 : vector<512x32xf32>
    %add3A_91 = vector.broadcast %max3A_69 : vector<512x1xf32> to vector<512x32xf32>
    %add3A_92 = arith.addf %add3A_90, %add3A_91 : vector<512x32xf32>
    %logistic3A = arith.negf %add3A_92 : vector<512x32xf32>
    %logistic3A_93 = math.exp %logistic3A : vector<512x32xf32>
    %logistic3A_94 = arith.constant 1.000000e+00 : f32
    %logistic3A_95 = vector.broadcast %logistic3A_94 : f32 to vector<512x32xf32>
    %logistic3A_96 = arith.addf %logistic3A_95, %logistic3A_93 : vector<512x32xf32>
    %logistic3A_97 = arith.divf %logistic3A_95, %logistic3A_96 : vector<512x32xf32>
    %swap3A = arith.constant 0 : index
    %swap3A_98 = arith.constant 0 : index
    %swap3A_99 = vector.load %arg14[%swap3A, %swap3A_98] : memref<512x32xf32, #tpu.memory_space<vmem>>, vector<512x32xf32>
    tpu.vector_store %arg14[%swap3A, %swap3A_98], %logistic3A_97 {strides = array<i32>} : memref<512x32xf32, #tpu.memory_space<vmem>>, vector<512x32xf32>,
    return
  }
  func.func @transform_0(%arg0: i32) -> (i32, i32) {
    %c0_i32 = arith.constant 0 : i32
    %c0_i32_0 = arith.constant 0 : i32
    return %arg0, %c0_i32 : i32, i32
  }
  func.func @transform_1(%arg0: i32) -> (i32, i32) {
    %c0_i32 = arith.constant 0 : i32
    %c0_i32_0 = arith.constant 0 : i32
    return %arg0, %c0_i32 : i32, i32
  }
  func.func @transform_2(%arg0: i32) -> (i32, i32) {
    %c0_i32 = arith.constant 0 : i32
    %c0_i32_0 = arith.constant 0 : i32
    %c0_i32_1 = arith.constant 0 : i32
    return %c0_i32, %c0_i32_0 : i32, i32
  }
  func.func @transform_3(%arg0: i32) -> (i32, i32) {
    %c0_i32 = arith.constant 0 : i32
    %c0_i32_0 = arith.constant 0 : i32
    %c0_i32_1 = arith.constant 0 : i32
    return %c0_i32, %c0_i32_0 : i32, i32
  }
  func.func @transform_4(%arg0: i32) -> (i32, i32) {
    %c0_i32 = arith.constant 0 : i32
    %c0_i32_0 = arith.constant 0 : i32
    %c0_i32_1 = arith.constant 0 : i32
    return %c0_i32, %c0_i32_0 : i32, i32
  }
  func.func @transform_5(%arg0: i32) -> (i32, i32) {
    %c0_i32 = arith.constant 0 : i32
    %c0_i32_0 = arith.constant 0 : i32
    %c0_i32_1 = arith.constant 0 : i32
    return %c0_i32, %c0_i32_0 : i32, i32
  }
  func.func @transform_6(%arg0: i32) -> (i32, i32) {
    %c0_i32 = arith.constant 0 : i32
    %c0_i32_0 = arith.constant 0 : i32
    %c0_i32_1 = arith.constant 0 : i32
    return %c0_i32, %c0_i32_0 : i32, i32
  }
  func.func @transform_7(%arg0: i32) -> (i32, i32) {
    %c0_i32 = arith.constant 0 : i32
    %c0_i32_0 = arith.constant 0 : i32
    %c0_i32_1 = arith.constant 0 : i32
    return %c0_i32, %c0_i32_0 : i32, i32
  }
  func.func @transform_8(%arg0: i32) -> (i32, i32) {
    %c0_i32 = arith.constant 0 : i32
    %c0_i32_0 = arith.constant 0 : i32
    %c0_i32_1 = arith.constant 0 : i32
    return %c0_i32, %c0_i32_0 : i32, i32
  }
  func.func @transform_9(%arg0: i32) -> (i32, i32) {
    %c0_i32 = arith.constant 0 : i32
    %c0_i32_0 = arith.constant 0 : i32
    %c0_i32_1 = arith.constant 0 : i32
    return %c0_i32, %c0_i32_0 : i32, i32
  }
  func.func @transform_10(%arg0: i32) -> (i32, i32) {
    %c0_i32 = arith.constant 0 : i32
    %c0_i32_0 = arith.constant 0 : i32
    %c0_i32_1 = arith.constant 0 : i32
    return %c0_i32, %c0_i32_0 : i32, i32
  }
  func.func @transform_11(%arg0: i32) -> (i32, i32) {
    %c0_i32 = arith.constant 0 : i32
    %c0_i32_0 = arith.constant 0 : i32
    %c0_i32_1 = arith.constant 0 : i32
    return %c0_i32, %c0_i32_0 : i32, i32
  }
  func.func @transform_12(%arg0: i32) -> (i32, i32) {
    %c0_i32 = arith.constant 0 : i32
    %c0_i32_0 = arith.constant 0 : i32
    %c0_i32_1 = arith.constant 0 : i32
    return %c0_i32, %c0_i32_0 : i32, i32
  }
  func.func @transform_13(%arg0: i32) -> (i32, i32) {
    %c0_i32 = arith.constant 0 : i32
    %c0_i32_0 = arith.constant 0 : i32
    return %arg0, %c0_i32 : i32, i32
  }
}

</mosaic_0001>

<sc_bundles>
// kernel: kernel.4.cloned.1.call-start
scs
__scs_entry_jumppad:
0x0: {  	(pc) =	sbr.rel $0x88, $3  }
0x1: {  	(tag) =	ssettag $0x0;
	lr =	simm.s32 $0x1  }
0x2: {  	[smem:$0x3F94] =	sst lr;
	_ =	strace $0xD0000000  }
0x3: {  	_ = 	snop  }
0x4: {  	_ = 	snop  }
0x5: {  	_ = 	snop  }
0x6: {  	_ = 	snop  }
0x7: {  	_ = 	snop  }
__scs_overlays_trampoline_lowered:
0x8: {  	[smem:$0x3FA3] =	sst s0  }
0x9: {  	[smem:$0x3FA4] =	sst s1  }
0xa: {  	[smem:$0x3FA5] =	sst s2  }
0xb: {  	[smem:$0x3FA6] =	sst s3  }
0xc: {  	[smem:$0x3FA7] =	sst s4  }
0xd: {  	[smem:$0x3FA8] =	sst s5  }
0xe: {  	[smem:$0x3FA9] =	sst s6  }
0xf: {  	[smem:$0x3FAA] =	sst s7  }
0x10: {  	[smem:$0x3FAB] =	sst s8  }
0x11: {  	[smem:$0x3FAC] =	sst s9;
	s0 =	simm.s32 @!p0 $0x0  }
0x12: {  	s1 =	sld [smem:$0x3F92];
	s0 =	simm.s32 @p0 $0x1  }
0x13: {  	[smem:$0x3FAD] =	sst s0;
	s0 =	simm.s32 @!p1 $0x0  }
0x14: {  	s2 =	sld [smem:$0x3F91];
	s0 =	simm.s32 @p1 $0x1  }
0x15: {  	[smem:$0x3FAE] =	sst s0;
	s0 =	simm.s32 @!p2 $0x0  }
0x16: {  	s3 =	sld [smem:$0x3FDB];
	s0 =	simm.s32 @p2 $0x1  }
0x17: {  	s4 =	simm.s32 $0x1BF5;
	[smem:$0x3FB0] =	sst s0  }
0x18: {  	s0 =	sld [smem:$0x3F93];
	_ =	swait.ge [sflag:s4], $0x0  }
0x19: {  	s7 =	sld [smem:$0x3F94]  }
0x1a: {  	s8 =	sadd.s32 $0xFFFFE003, lr  }
0x1b: {  	s9 =	sadd.s32 $0xFFFFFEF7, lr;
	s5 =	simm.s32 $0xFFFFFFFF;
	p2 =	slt.u32 s8, $0xFFFFF086  }
0x1c: {  	p1 =	slt.u32 s9, $0xF7A;
	s5 =	simm.s32 @!p2 $0x0  }
0x1d: {  	s5 =	simm.s32 @p1 $0x1;
	p0 =	seq.s32 s7, s2  }
0x1e: {  	s7 =	smul.u32 @!p0 $0xF7A, s2;
	p2 =	seq.s32 @!p0 s5, $0x0  }
0x1f: {  	s9 =	smul.u32 $0xF7A, s1;
	s8 =	simm.s32 @!p0 $0x1BF5;
	p2 =	por !p2, p0  }
0x20: {  	[sflag:s8] =	ssyncset.s32 @!p0 $0xFFFFF086;
	s6 =	sadd.s32 @!p0 s3, s7;
	s7 =	simm.s32 @!p0 $0x108  }
0x21: {  	s3 =	sadd.s32 s3, s9;
	s6 =	sadd.s32 @!p0 $0x88, s6;
	s7 =	simm.s32 @p2 $0x1082  }
0x22: {  	[simem:s7], [sflag:s8] =	dma.local @!p0 [hbm:s6], $0xF7A  }
0x23: {  	s9 =	sor.u32 $0xD0000000, s2;
	s6 =	simm.s32 $0x108;
	_ =	swait.ge @!p0 [sflag:s8], $0x0  }
0x24: {  	s3 =	sadd.s32 $0x88, s3;
	s6 =	simm.s32 @!p1 $0x1082;
	[sflag:s4] =	ssyncset.s32 $0xFFFFF086  }
0x25: {  	[simem:s6], [sflag:s4] =	dma.local [hbm:s3], $0xF7A  }
0x26: {  	[smem:$0x3F94] =	sst s1;
	(tag) =	ssettag s2;
	_ =	strace s9  }
0x27: {  	s1 =	sld [smem:$0x3FA4]  }
0x28: {  	s2 =	sld [smem:$0x3FA5]  }
0x29: {  	s4 =	sld [smem:$0x3FA7]  }
0x2a: {  	p0 =	seq.s32 s5, $0x0;
	s5 =	sld [smem:$0x3FA8]  }
0x2b: {  	s6 =	sld [smem:$0x3FA9]  }
0x2c: {  	s7 =	sld [smem:$0x3FAA]  }
0x2d: {  	s3 =	simm.s32 $0x108;
	s8 =	sld [smem:$0x3FAB]  }
0x2e: {  	s3 =	simm.s32 @!p0 $0x1082;
	s9 =	sld [smem:$0x3FAC]  }
0x2f: {  	lr =	sadd.s32 s0, s3;
	s0 =	sld [smem:$0x3FA3]  }
0x30: {  	s3 =	sld [smem:$0x3FA6]  }
0x31: {  	[smem:$0x3FAF] =	sst s10  }
0x32: {  	s10 =	sld [smem:$0x3FAD];
	_ =	sdelay $0x3  }
0x33: {  	p0 =	seq.s32 s10, $0x1;
	s10 =	sld [smem:$0x3FAF];
	_ =	sdelay $0x3  }
0x34: {  	[smem:$0x3FAF] =	sst s10  }
0x35: {  	s10 =	sld [smem:$0x3FAE];
	_ =	sdelay $0x3  }
0x36: {  	p1 =	seq.s32 s10, $0x1;
	s10 =	sld [smem:$0x3FAF];
	_ =	sdelay $0x3  }
0x37: {  	[smem:$0x3FAF] =	sst s10  }
0x38: {  	s10 =	sld [smem:$0x3FB0]  }
0x39: {  	_ = 	snop;
	(pc) =	sbr.ind lr, $3  }
0x3a: {  	_ = 	snop  }
0x3b: {  	_ = 	snop  }
0x3c: {  	p2 =	seq.s32 s10, $0x1;
	s10 =	sld [smem:$0x3FAF]  }
0x3d: {  	_ =	shalt  }
0x3e: {  	_ =	shalt  }
0x3f: {  	_ =	shalt  }
0x40: {  	_ =	shalt  }
0x41: {  	_ =	shalt  }
0x42: {  	_ =	shalt  }
0x43: {  	_ =	shalt  }
0x44: {  	_ =	shalt  }
0x45: {  	_ =	shalt  }
0x46: {  	_ =	shalt  }
0x47: {  	_ =	shalt  }
0x48: {  	_ =	shalt  }
0x49: {  	_ =	shalt  }
0x4a: {  	_ =	shalt  }
0x4b: {  	_ =	shalt  }
0x4c: {  	_ =	shalt  }
0x4d: {  	_ =	shalt  }
0x4e: {  	_ =	shalt  }
0x4f: {  	_ =	shalt  }
0x50: {  	_ =	shalt  }
0x51: {  	_ =	shalt  }
0x52: {  	_ =	shalt  }
0x53: {  	_ =	shalt  }
0x54: {  	_ =	shalt  }
0x55: {  	_ =	shalt  }
0x56: {  	_ =	shalt  }
0x57: {  	_ =	shalt  }
0x58: {  	_ =	shalt  }
0x59: {  	_ =	shalt  }
0x5a: {  	_ =	shalt  }
0x5b: {  	_ =	shalt  }
0x5c: {  	_ =	shalt  }
0x5d: {  	_ =	shalt  }
0x5e: {  	_ =	shalt  }
0x5f: {  	_ =	shalt  }
0x60: {  	_ =	shalt  }
0x61: {  	_ =	shalt  }
0x62: {  	_ =	shalt  }
0x63: {  	_ =	shalt  }
0x64: {  	_ =	shalt  }
0x65: {  	_ =	shalt  }
0x66: {  	_ =	shalt  }
0x67: {  	_ =	shalt  }
0x68: {  	_ =	shalt  }
0x69: {  	_ =	shalt  }
0x6a: {  	_ =	shalt  }
0x6b: {  	_ =	shalt  }
0x6c: {  	_ =	shalt  }
0x6d: {  	_ =	shalt  }
0x6e: {  	_ =	shalt  }
0x6f: {  	_ =	shalt  }
0x70: {  	_ =	shalt  }
0x71: {  	_ =	shalt  }
0x72: {  	_ =	shalt  }
0x73: {  	_ =	shalt  }
0x74: {  	_ =	shalt  }
0x75: {  	_ =	shalt  }
0x76: {  	_ =	shalt  }
0x77: {  	_ =	shalt  }
0x78: {  	_ =	shalt  }
0x79: {  	_ =	shalt  }
0x7a: {  	_ =	shalt  }
0x7b: {  	_ =	shalt  }
0x7c: {  	_ =	shalt  }
0x7d: {  	_ =	shalt  }
0x7e: {  	_ =	shalt  }
0x7f: {  	_ =	shalt  }
0x80: {  	_ =	shalt  }
0x81: {  	_ =	shalt  }
0x82: {  	_ =	shalt  }
0x83: {  	_ =	shalt  }
0x84: {  	_ =	shalt  }
0x85: {  	_ =	shalt  }
0x86: {  	_ =	shalt  }
0x87: {  	_ =	shalt  }
.Lfunc_end0:
.L_simem_size_0:
called_computation_lowered:
.L_overlay_start_0:
0x88: {  	s2 =	sld [smem:$0x3FD9]  }
0x89: {  	s3 =	sld [smem:$0x3FFE];
	_ =	sdelay $0x1  }
0x8a: {  	s1 =	srdreg.scid  }
0x8b: {  	s0 =	sand.u32 $0x1, s1  }
0x8c: {  	s17 =	sshll.u32 s0, $0xA;
	s2 =	sadd.s32 s3, s2  }
0x8d: {  	s2 =	sadd.s32 s2, s17  }
0x8e: {  	[smem:$0x3FBB] =	sst s2  }
0x8f: {  	_ = 	snop  }
0x90: {  	s2 =	sld [smem:$0x3FD0];
	(tm) =	ssettm $0x1  }
0x91: {  	s18 =	sld [smem:$0x3FFB];
	_ =	sdelay $0x3  }
0x92: {  	_ =	strace s18  }
0x93: {  	s3 =	sld [smem:$0x3FFC];
	_ =	sdelay $0x3  }
0x94: {  	_ =	strace s3  }
0x95: {  	s3 =	sld [smem:$0x3FFD];
	_ =	sdelay $0x3  }
0x96: {  	_ =	strace s3  }
0x97: {  	_ =	strace $0x8FFFFFFF  }
0x98: {  	s19 =	sld [smem:$0x3FDB];
	_ =	sdelay $0x1  }
0x99: {  	s4 =	simm.s32 $_scs_section_size  }
0x9a: {  	s5 =	simm.s32 $_size__tile_overlayer_lowered;
	s6 =	simm.s32 $_tile_overlayer_lowered  }
0x9b: {  	s22 =	simm.s32 $0x1BFF;
	s21 =	sshll.u32 s6, $0x1;
	s3 =	sadd.s32 s4, s19  }
0x9c: {  	s7 =	simm.s32 $0x0;
	s20 =	sshll.u32 s5, $0x1;
	s5 =	sadd.s32 s21, s3  }
0x9d: {  	[timem:s7], [sflag:s22] =	dma.local [hbm:s5], s20  }
0x9e: {  	_ =	swait.ge [sflag:s22], s20  }
0x9f: {  	s4 =	ssub.s32 $0x0, s20;
	[sflag:s22] =	ssyncset.done $0x0  }
0xa0: {  	[sflag:s22] =	ssyncadd.s32 s4;
	_ =	sdelay $0x1  }
0xa1: {  	s23 =	simm.s32 $0x1B8B  }
0xa2: {  	_ =	swait.ge [sflag:s23], $0x1  }
0xa3: {  	[sflag:s23] =	ssyncset.done $0x0  }
0xa4: {  	s25 =	simm.s32 $0x1B8E;
	s24 =	sld [smem:$0x3FFE];
	[sflag:s23] =	ssyncadd.s32 $0xFFFFFFFF  }
0xa5: {  	s26 =	simm.s32 $execute0_lowered;
	[smem:$0x3FD2] =	sst s25  }
0xa6: {  	s5 =	sshll.u32 s26, $0x1;
	_ =	strace $0x80000046;
	[dreg:$0x1] =	wrdreg $0xFFFFFFFF  }
0xa7: {  	s28 =	simm.s32 $_size_execute0_lowered;
	s3 =	sadd.s32 s3, s5;
	[dreg:$0x0] =	wrdreg $0x0  }
0xa8: {  	s5 =	sshll.u32 s28, $0x1;
	[dreg:$0x2] =	wrdreg s3  }
0xa9: {  	[dreg:$0x3] =	wrdreg s5  }
0xaa: {  	[dreg:$0x4] =	wrdreg $0xC0  }
0xab: {  	_ =	task [dreg:s7], $0x5FFFF  }
0xac: {  	[dreg:$0x1] =	wrdreg $0xFFFFFFFF  }
0xad: {  	[dreg:$0x0] =	wrdreg $0x60  }
0xae: {  	[dreg:$0x2] =	wrdreg s24  }
0xaf: {  	[dreg:$0x3] =	wrdreg s2  }
0xb0: {  	[dreg:$0x4] =	wrdreg $0x9  }
0xb1: {  	_ =	task.clear_ibuf [dreg:s7], $0x5FFFF;
	_ =	strace $0x90000046  }
0xb2: {  	s29 =	simm.s32 $0x9;
	_ =	strace $0x80000048  }
0xb3: {  	_ =	swait.ge [sflag:s29], $0x1  }
0xb4: {  	[sflag:s29] =	ssyncadd.s32 $0xFFFFFFFF  }
0xb5: {  	_ =	strace $0x90000048  }
0xb6: {  	_ =	sfence  }
0xb7: {  	s30 =	sld [smem:$0x0];
	_ =	sdelay $0x2  }
0xb8: {  	s31 =	sshll.u32 s1, $0xD;
	s1 =	sshrl.u32 s1, $0x2  }
0xb9: {  	s3 =	sand.u32 $0x4000, s31;
	s1 =	sadd.s32 s1, s30  }
0xba: {  	s0 =	sor.u32 s3, s0;
	s1 =	sshll.u32 s1, $0x11  }
0xbb: {  	s0 =	sor.u32 s1, s0  }
0xbc: {  	s0 =	sadd.s32 $0x8F2B, s0  }
0xbd: {  	[sflag:s0] =	ssyncadd.remote.s32 $0x1  }
0xbe: {  	_ =	sfence.sel $0xFFFF  }
0xbf: {  	[dreg:$0x0] =	wrdreg $0xFFFFFFFF;
	(pc) =	sbr.abs _section_cstart, $3  }
0xc0: {  	[dreg:$0x1] =	wrdreg $0xFFFFFFFF  }
0xc1: {  	_ =	task.clear_ibuf [dreg:s7], $0x2FFFF;
	_ =	strace $0x9FFFFFFF  }
0xc2: {  	(tm) =	ssettm $0x7FFFFFFF  }
0xc3: {  	_ =	shalt  }
tec
execute0_lowered:
.L_overlay_start_1:
0x0: {  	(tag) =	ssettag $0x1  }
0x1: {  	s3 =	rddreg [dreg:$0x0]  }
0x2: {  	s1 =	rddreg [dreg:$0x1];
	s2 =	simm.s32 $0x0  }
0x3: {  	[smem:$0x7FF] =	sst s2;
	s7 =	sadd.s32 $0x27ADE00, s3  }
0x4: {  	s8 =	sadd.s32 $0x280F880, s3;
	_ =	strace $0x80000047;
	[dreg:$0x3] =	wrdreg s7  }
0x5: {  	s10 =	sadd.s32 $0x2871300, s3;
	[dreg:$0x5] =	wrdreg s8  }
0x6: {  	s12 =	sadd.s32 $0x28D2D80, s3;
	[dreg:$0x7] =	wrdreg s10  }
0x7: {  	s14 =	sadd.s32 $0x2934800, s3;
	[dreg:$0x9] =	wrdreg s12  }
0x8: {  	s16 =	sadd.s32 $0x2996280, s3;
	[dreg:$0xb] =	wrdreg s14  }
0x9: {  	s18 =	sadd.s32 $0x29F7D00, s3;
	[dreg:$0xd] =	wrdreg s16  }
0xa: {  	s20 =	sadd.s32 $0x2A59780, s3;
	[dreg:$0xf] =	wrdreg s18  }
0xb: {  	s22 =	sadd.s32 $0x2ABB200, s3;
	[dreg:$0x11] =	wrdreg s20  }
0xc: {  	s24 =	sadd.s32 $0x2B1CC80, s3;
	[dreg:$0x13] =	wrdreg s22  }
0xd: {  	s26 =	sadd.s32 $0x2B7E700, s3;
	[dreg:$0x15] =	wrdreg s24  }
0xe: {  	[dreg:$0x17] =	wrdreg s26;
	s8 =	sadd.s32 $0x2C41C00, s3  }
0xf: {  	s10 =	sadd.s32 $0x2CA3680, s3;
	[dreg:$0x1b] =	wrdreg s8  }
0x10: {  	s12 =	sadd.s32 $0x2D05100, s3;
	[dreg:$0x1d] =	wrdreg s10  }
0x11: {  	s14 =	sadd.s32 $0x2D66B80, s3;
	[dreg:$0x1f] =	wrdreg s12  }
0x12: {  	s16 =	sadd.s32 $0x2DC8600, s3;
	[smem:$0x7E7] =	sst s14  }
0x13: {  	s18 =	sadd.s32 $0x2E2A080, s3;
	[smem:$0x7E9] =	sst s16  }
0x14: {  	s20 =	sadd.s32 $0x2E8BB00, s3;
	[smem:$0x7EB] =	sst s18  }
0x15: {  	s0 =	srdreg.scid;
	s22 =	sadd.s32 $0x2EED580, s3;
	[smem:$0x7ED] =	sst s20  }
0x16: {  	s4 =	stileid.u32;
	s24 =	sadd.s32 $0x2F4F000, s3;
	[smem:$0x7EF] =	sst s22  }
0x17: {  	s0 =	sand.u32 $0x1, s0;
	s26 =	sadd.s32 $0x2FB0A80, s3;
	[smem:$0x7F1] =	sst s24  }
0x18: {  	s4 =	sshll.u32 s4, $0x8;
	[smem:$0x7F3] =	sst s26;
	s8 =	sadd.s32 $0x3073F80, s3  }
0x19: {  	s5 =	sshll.u32 s0, $0x7;
	s10 =	sadd.s32 $0x30D5A00, s3;
	[smem:$0x7F7] =	sst s8  }
0x1a: {  	s4 =	sor.u32 s5, s4;
	s12 =	sadd.s32 $0x3137480, s3;
	[smem:$0x7F9] =	sst s10  }
0x1b: {  	s16 =	simm.s32 $0x100;
	s18 =	simm.s32 $0x200;
	[smem:$0x7FB] =	sst s12  }
0x1c: {  	s6 =	smul.u32 $0x68, s4;
	s4 =	sshrl.u32 s4, $0x3;
	[smem:$0x7E0] =	sst s16  }
0x1d: {  	[smem:$0x7E2] =	sst s18;
	s1 =	sadd.s32 s1, s4  }
0x1e: {  	s4 =	sadd.s32 s6, s3;
	[dreg:$0x4] =	wrdreg s1;
	s6 =	sadd.s32 $0x2BE0180, s3  }
0x1f: {  	[dreg:$0x19] =	wrdreg s6  }
0x20: {  	s9 =	sadd.s32 $0x1A00, s4;
	s20 =	rddreg [dreg:$0x4]  }
0x21: {  	s11 =	sadd.s32 $0x1A04, s4;
	[dreg:$0x6] =	wrdreg s9  }
0x22: {  	s13 =	sadd.s32 $0x1A08, s4;
	[dreg:$0x8] =	wrdreg s11  }
0x23: {  	s15 =	sadd.s32 $0x1A0C, s4;
	[dreg:$0xa] =	wrdreg s13  }
0x24: {  	s17 =	sadd.s32 $0x1A10, s4;
	[dreg:$0xc] =	wrdreg s15  }
0x25: {  	s19 =	sadd.s32 $0x1A14, s4;
	[dreg:$0xe] =	wrdreg s17  }
0x26: {  	s21 =	sadd.s32 $0x1A18, s4;
	[dreg:$0x10] =	wrdreg s19  }
0x27: {  	s23 =	sadd.s32 $0x1A1C, s4;
	[dreg:$0x12] =	wrdreg s21  }
0x28: {  	s25 =	sadd.s32 $0x1A20, s4;
	[dreg:$0x14] =	wrdreg s23  }
0x29: {  	s5 =	sadd.s32 $0x1A24, s4;
	[dreg:$0x16] =	wrdreg s25  }
0x2a: {  	s7 =	sadd.s32 $0x1A28, s4;
	[dreg:$0x18] =	wrdreg s5  }
0x2b: {  	s6 =	sadd.s32 $0x3012500, s3;
	[dreg:$0x1a] =	wrdreg s7  }
0x2c: {  	s14 =	sadd.s32 $0x1A64, s4;
	[smem:$0x7F5] =	sst s6  }
0x2d: {  	s9 =	sadd.s32 $0x1A2C, s4;
	[smem:$0x7FD] =	sst s14  }
0x2e: {  	s11 =	sadd.s32 $0x1A30, s4;
	[dreg:$0x1c] =	wrdreg s9  }
0x2f: {  	s13 =	sadd.s32 $0x1A34, s4;
	[dreg:$0x1e] =	wrdreg s11  }
0x30: {  	s15 =	sadd.s32 $0x1A38, s4;
	[smem:$0x7E6] =	sst s13  }
0x31: {  	s17 =	sadd.s32 $0x1A3C, s4;
	[smem:$0x7E8] =	sst s15  }
0x32: {  	s19 =	sadd.s32 $0x1A40, s4;
	[smem:$0x7EA] =	sst s17  }
0x33: {  	s21 =	sadd.s32 $0x1A44, s4;
	[smem:$0x7EC] =	sst s19  }
0x34: {  	s23 =	sadd.s32 $0x1A48, s4;
	[smem:$0x7EE] =	sst s21  }
0x35: {  	s25 =	sadd.s32 $0x1A4C, s4;
	[smem:$0x7F0] =	sst s23  }
0x36: {  	s5 =	sadd.s32 $0x1A50, s4;
	[smem:$0x7F2] =	sst s25  }
0x37: {  	s7 =	sadd.s32 $0x1A54, s4;
	[smem:$0x7F4] =	sst s5  }
0x38: {  	[smem:$0x7F6] =	sst s7;
	s9 =	sadd.s32 $0x1A58, s4  }
0x39: {  	s11 =	sadd.s32 $0x1A5C, s4;
	[smem:$0x7F8] =	sst s9  }
0x3a: {  	s13 =	sadd.s32 $0x1A60, s4;
	[smem:$0x7FA] =	sst s11  }
0x3b: {  	s15 =	simm.s32 $0x1000;
	[smem:$0x7FC] =	sst s13  }
0x3c: {  	s17 =	simm.s32 $0x180;
	[smem:$0x7DF] =	sst s15  }
0x3d: {  	s19 =	simm.s32 $0x280;
	[smem:$0x7E1] =	sst s17  }
0x3e: {  	[smem:$0x7E3] =	sst s19  }
0x3f: {  	s21 =	simm.s32 $0x300;
	s22 =	sld [smem:$0x7DF]  }
0x40: {  	s23 =	simm.s32 $0x380;
	[smem:$0x7E4] =	sst s21  }
0x41: {  	s3 =	simm.s32 $0x80;
	s4 =	simm.s32 $0x5;
	[smem:$0x7E5] =	sst s23  }
0x42: {  	[tilespmem:s2], [sflag:$0x5] =	stream.strided.gather [hbm4b:s20+s3], $0xD00, s22, s3, $0x38;
	[tilespmem:$0x2D00] =	vst v63  }
0x43: {  	_ =	swait.ge [sflag:s4], $0xD00  }
0x44: {  	[sflag:s4] =	ssyncset.done $0x0  }
0x45: {  	s5 =	simm.s32 $0xD00;
	s24 =	rddreg [dreg:$0x3];
	[sflag:s4] =	ssyncadd.s32 $0xFFFFF300  }
0x46: {  	[tilespmem:s5], [sflag:$0x1] =	stream.indirect.gather [hbm4b:s24+s3], $0x20, s2, s3, $0xb8;
	[tilespmem:$0x2D00] =	vst v63  }
0x47: {  	s6 =	simm.s32 $0x1D00;
	s7 =	simm.s32 $0x1;
	s8 =	rddreg [dreg:$0x5]  }
0x48: {  	[tilespmem:s6], [sflag:$0x2] =	stream.indirect.gather [hbm4b:s8+s3], $0x20, s3, s3, $0xb8;
	[tilespmem:$0x2D00] =	vst v63  }
0x49: {  	_ =	swait.ge [sflag:s7], $0x1000  }
0x4a: {  	s10 =	simm.s32 $0x340;
	s9 =	simm.s32 $0x3;
	[sflag:s7] =	ssyncset.done $0x0  }
0x4b: {  	s8 =	simm.s32 $0x20;
	s25 =	rddreg [dreg:$0x6];
	[sflag:s7] =	ssyncadd.s32 $0xFFFFF000  }
0x4c: {  	[hbm4b:s25+s8] =	stream.strided.scatter [tilespmem:s5], [sflag:$0x3], $0x1000, s10, s8, $0x38;
	[tilespmem:$0x2D00] =	vst v63  }
0x4d: {  	_ =	swait.ge [sflag:s9], $0x1000  }
0x4e: {  	s11 =	sld [smem:$0x7E0]  }
0x4f: {  	[sflag:s9] =	ssyncset.done $0x0  }
0x50: {  	s12 =	simm.s32 $0x2;
	s26 =	rddreg [dreg:$0x7];
	[sflag:s9] =	ssyncadd.s32 $0xFFFFF000  }
0x51: {  	[tilespmem:s5], [sflag:$0x1] =	stream.indirect.gather [hbm4b:s26+s3], $0x20, s11, s3, $0xb8;
	[tilespmem:$0x2D00] =	vst v63  }
0x52: {  	_ =	swait.ge [sflag:s12], $0x1000  }
0x53: {  	[sflag:s12] =	ssyncset.done $0x0  }
0x54: {  	s11 =	simm.s32 $0x4;
	s13 =	rddreg [dreg:$0x8];
	[sflag:s12] =	ssyncadd.s32 $0xFFFFF000  }
0x55: {  	[hbm4b:s13+s8] =	stream.strided.scatter [tilespmem:s6], [sflag:$0x4], $0x1000, s10, s8, $0x38;
	[tilespmem:$0x2D00] =	vst v63  }
0x56: {  	_ =	swait.ge [sflag:s11], $0x1000  }
0x57: {  	s13 =	sld [smem:$0x7E1]  }
0x58: {  	[sflag:s11] =	ssyncset.done $0x0  }
0x59: {  	s14 =	rddreg [dreg:$0x9];
	[sflag:s11] =	ssyncadd.s32 $0xFFFFF000  }
0x5a: {  	[tilespmem:s6], [sflag:$0x2] =	stream.indirect.gather [hbm4b:s14+s3], $0x20, s13, s3, $0xb8;
	[tilespmem:$0x2D00] =	vst v63  }
0x5b: {  	_ =	swait.ge [sflag:s7], $0x1000  }
0x5c: {  	[sflag:s7] =	ssyncset.done $0x0  }
0x5d: {  	s15 =	rddreg [dreg:$0xa];
	[sflag:s7] =	ssyncadd.s32 $0xFFFFF000  }
0x5e: {  	[hbm4b:s15+s8] =	stream.strided.scatter [tilespmem:s5], [sflag:$0x3], $0x1000, s10, s8, $0x38;
	[tilespmem:$0x2D00] =	vst v63  }
0x5f: {  	_ =	swait.ge [sflag:s9], $0x1000  }
0x60: {  	s17 =	sld [smem:$0x7E2]  }
0x61: {  	[sflag:s9] =	ssyncset.done $0x0  }
0x62: {  	s16 =	rddreg [dreg:$0xb];
	[sflag:s9] =	ssyncadd.s32 $0xFFFFF000  }
0x63: {  	[tilespmem:s5], [sflag:$0x1] =	stream.indirect.gather [hbm4b:s16+s3], $0x20, s17, s3, $0xb8;
	[tilespmem:$0x2D00] =	vst v63  }
0x64: {  	_ =	swait.ge [sflag:s12], $0x1000  }
0x65: {  	[sflag:s12] =	ssyncset.done $0x0  }
0x66: {  	s18 =	rddreg [dreg:$0xc];
	[sflag:s12] =	ssyncadd.s32 $0xFFFFF000  }
0x67: {  	[hbm4b:s18+s8] =	stream.strided.scatter [tilespmem:s6], [sflag:$0x4], $0x1000, s10, s8, $0x38;
	[tilespmem:$0x2D00] =	vst v63  }
0x68: {  	_ =	swait.ge [sflag:s11], $0x1000  }
0x69: {  	s20 =	sld [smem:$0x7E3]  }
0x6a: {  	[sflag:s11] =	ssyncset.done $0x0  }
0x6b: {  	s19 =	rddreg [dreg:$0xd];
	[sflag:s11] =	ssyncadd.s32 $0xFFFFF000  }
0x6c: {  	[tilespmem:s6], [sflag:$0x2] =	stream.indirect.gather [hbm4b:s19+s3], $0x20, s20, s3, $0xb8;
	[tilespmem:$0x2D00] =	vst v63  }
0x6d: {  	_ =	swait.ge [sflag:s7], $0x1000  }
0x6e: {  	[sflag:s7] =	ssyncset.done $0x0  }
0x6f: {  	s21 =	rddreg [dreg:$0xe];
	[sflag:s7] =	ssyncadd.s32 $0xFFFFF000  }
0x70: {  	[hbm4b:s21+s8] =	stream.strided.scatter [tilespmem:s5], [sflag:$0x3], $0x1000, s10, s8, $0x38;
	[tilespmem:$0x2D00] =	vst v63  }
0x71: {  	_ =	swait.ge [sflag:s9], $0x1000  }
0x72: {  	s23 =	sld [smem:$0x7E4]  }
0x73: {  	[sflag:s9] =	ssyncset.done $0x0  }
0x74: {  	s22 =	rddreg [dreg:$0xf];
	[sflag:s9] =	ssyncadd.s32 $0xFFFFF000  }
0x75: {  	[tilespmem:s5], [sflag:$0x1] =	stream.indirect.gather [hbm4b:s22+s3], $0x20, s23, s3, $0xb8;
	[tilespmem:$0x2D00] =	vst v63  }
0x76: {  	_ =	swait.ge [sflag:s12], $0x1000  }
0x77: {  	[sflag:s12] =	ssyncset.done $0x0  }
0x78: {  	s24 =	rddreg [dreg:$0x10];
	[sflag:s12] =	ssyncadd.s32 $0xFFFFF000  }
0x79: {  	[hbm4b:s24+s8] =	stream.strided.scatter [tilespmem:s6], [sflag:$0x4], $0x1000, s10, s8, $0x38;
	[tilespmem:$0x2D00] =	vst v63  }
0x7a: {  	_ =	swait.ge [sflag:s11], $0x1000  }
0x7b: {  	s26 =	sld [smem:$0x7E5]  }
0x7c: {  	[sflag:s11] =	ssyncset.done $0x0  }
0x7d: {  	s25 =	rddreg [dreg:$0x11];
	[sflag:s11] =	ssyncadd.s32 $0xFFFFF000  }
0x7e: {  	[tilespmem:s6], [sflag:$0x2] =	stream.indirect.gather [hbm4b:s25+s3], $0x20, s26, s3, $0xb8;
	[tilespmem:$0x2D00] =	vst v63  }
0x7f: {  	_ =	swait.ge [sflag:s7], $0x1000  }
0x80: {  	[sflag:s7] =	ssyncset.done $0x0  }
0x81: {  	s13 =	rddreg [dreg:$0x12];
	[sflag:s7] =	ssyncadd.s32 $0xFFFFF000  }
0x82: {  	[hbm4b:s13+s8] =	stream.strided.scatter [tilespmem:s5], [sflag:$0x3], $0x1000, s10, s8, $0x38;
	[tilespmem:$0x2D00] =	vst v63  }
0x83: {  	_ =	swait.ge [sflag:s9], $0x1000  }
0x84: {  	[sflag:s9] =	ssyncset.done $0x0  }
0x85: {  	s15 =	simm.s32 $0x400;
	s14 =	rddreg [dreg:$0x13];
	[sflag:s9] =	ssyncadd.s32 $0xFFFFF000  }
0x86: {  	[tilespmem:s5], [sflag:$0x1] =	stream.indirect.gather [hbm4b:s14+s3], $0x20, s15, s3, $0xb8;
	[tilespmem:$0x2D00] =	vst v63  }
0x87: {  	_ =	swait.ge [sflag:s12], $0x1000  }
0x88: {  	[sflag:s12] =	ssyncset.done $0x0  }
0x89: {  	s16 =	rddreg [dreg:$0x14];
	[sflag:s12] =	ssyncadd.s32 $0xFFFFF000  }
0x8a: {  	[hbm4b:s16+s8] =	stream.strided.scatter [tilespmem:s6], [sflag:$0x4], $0x1000, s10, s8, $0x38;
	[tilespmem:$0x2D00] =	vst v63  }
0x8b: {  	_ =	swait.ge [sflag:s11], $0x1000  }
0x8c: {  	[sflag:s11] =	ssyncset.done $0x0  }
0x8d: {  	s14 =	simm.s32 $0x480;
	s17 =	rddreg [dreg:$0x15];
	[sflag:s11] =	ssyncadd.s32 $0xFFFFF000  }
0x8e: {  	[tilespmem:s6], [sflag:$0x2] =	stream.indirect.gather [hbm4b:s17+s3], $0x20, s14, s3, $0xb8;
	[tilespmem:$0x2D00] =	vst v63  }
0x8f: {  	_ =	swait.ge [sflag:s7], $0x1000  }
0x90: {  	[sflag:s7] =	ssyncset.done $0x0  }
0x91: {  	s18 =	rddreg [dreg:$0x16];
	[sflag:s7] =	ssyncadd.s32 $0xFFFFF000  }
0x92: {  	[hbm4b:s18+s8] =	stream.strided.scatter [tilespmem:s5], [sflag:$0x3], $0x1000, s10, s8, $0x38;
	[tilespmem:$0x2D00] =	vst v63  }
0x93: {  	_ =	swait.ge [sflag:s9], $0x1000  }
0x94: {  	[sflag:s9] =	ssyncset.done $0x0  }
0x95: {  	s15 =	simm.s32 $0x500;
	s19 =	rddreg [dreg:$0x17];
	[sflag:s9] =	ssyncadd.s32 $0xFFFFF000  }
0x96: {  	[tilespmem:s5], [sflag:$0x1] =	stream.indirect.gather [hbm4b:s19+s3], $0x20, s15, s3, $0xb8;
	[tilespmem:$0x2D00] =	vst v63  }
0x97: {  	_ =	swait.ge [sflag:s12], $0x1000  }
0x98: {  	[sflag:s12] =	ssyncset.done $0x0  }
0x99: {  	s20 =	rddreg [dreg:$0x18];
	[sflag:s12] =	ssyncadd.s32 $0xFFFFF000  }
0x9a: {  	[hbm4b:s20+s8] =	stream.strided.scatter [tilespmem:s6], [sflag:$0x4], $0x1000, s10, s8, $0x38;
	[tilespmem:$0x2D00] =	vst v63  }
0x9b: {  	_ =	swait.ge [sflag:s11], $0x1000  }
0x9c: {  	[sflag:s11] =	ssyncset.done $0x0  }
0x9d: {  	s16 =	simm.s32 $0x580;
	s21 =	rddreg [dreg:$0x19];
	[sflag:s11] =	ssyncadd.s32 $0xFFFFF000  }
0x9e: {  	[tilespmem:s6], [sflag:$0x2] =	stream.indirect.gather [hbm4b:s21+s3], $0x20, s16, s3, $0xb8;
	[tilespmem:$0x2D00] =	vst v63  }
0x9f: {  	_ =	swait.ge [sflag:s7], $0x1000  }
0xa0: {  	[sflag:s7] =	ssyncset.done $0x0  }
0xa1: {  	s22 =	rddreg [dreg:$0x1a];
	[sflag:s7] =	ssyncadd.s32 $0xFFFFF000  }
0xa2: {  	[hbm4b:s22+s8] =	stream.strided.scatter [tilespmem:s5], [sflag:$0x3], $0x1000, s10, s8, $0x38;
	[tilespmem:$0x2D00] =	vst v63  }
0xa3: {  	_ =	swait.ge [sflag:s9], $0x1000  }
0xa4: {  	[sflag:s9] =	ssyncset.done $0x0  }
0xa5: {  	s17 =	simm.s32 $0x600;
	s23 =	rddreg [dreg:$0x1b];
	[sflag:s9] =	ssyncadd.s32 $0xFFFFF000  }
0xa6: {  	[tilespmem:s5], [sflag:$0x1] =	stream.indirect.gather [hbm4b:s23+s3], $0x20, s17, s3, $0xb8;
	[tilespmem:$0x2D00] =	vst v63  }
0xa7: {  	_ =	swait.ge [sflag:s12], $0x1000  }
0xa8: {  	[sflag:s12] =	ssyncset.done $0x0  }
0xa9: {  	s24 =	rddreg [dreg:$0x1c];
	[sflag:s12] =	ssyncadd.s32 $0xFFFFF000  }
0xaa: {  	[hbm4b:s24+s8] =	stream.strided.scatter [tilespmem:s6], [sflag:$0x4], $0x1000, s10, s8, $0x38;
	[tilespmem:$0x2D00] =	vst v63  }
0xab: {  	_ =	swait.ge [sflag:s11], $0x1000  }
0xac: {  	[sflag:s11] =	ssyncset.done $0x0  }
0xad: {  	s18 =	simm.s32 $0x680;
	s25 =	rddreg [dreg:$0x1d];
	[sflag:s11] =	ssyncadd.s32 $0xFFFFF000  }
0xae: {  	[tilespmem:s6], [sflag:$0x2] =	stream.indirect.gather [hbm4b:s25+s3], $0x20, s18, s3, $0xb8;
	[tilespmem:$0x2D00] =	vst v63  }
0xaf: {  	_ =	swait.ge [sflag:s7], $0x1000  }
0xb0: {  	[sflag:s7] =	ssyncset.done $0x0  }
0xb1: {  	s26 =	rddreg [dreg:$0x1e];
	[sflag:s7] =	ssyncadd.s32 $0xFFFFF000  }
0xb2: {  	[hbm4b:s26+s8] =	stream.strided.scatter [tilespmem:s5], [sflag:$0x3], $0x1000, s10, s8, $0x38;
	[tilespmem:$0x2D00] =	vst v63  }
0xb3: {  	_ =	swait.ge [sflag:s9], $0x1000  }
0xb4: {  	[sflag:s9] =	ssyncset.done $0x0  }
0xb5: {  	s19 =	simm.s32 $0x700;
	s13 =	rddreg [dreg:$0x1f];
	[sflag:s9] =	ssyncadd.s32 $0xFFFFF000  }
0xb6: {  	[tilespmem:s5], [sflag:$0x1] =	stream.indirect.gather [hbm4b:s13+s3], $0x20, s19, s3, $0xb8;
	[tilespmem:$0x2D00] =	vst v63  }
0xb7: {  	_ =	swait.ge [sflag:s12], $0x1000  }
0xb8: {  	s20 =	sld [smem:$0x7E6]  }
0xb9: {  	[sflag:s12] =	ssyncset.done $0x0  }
0xba: {  	[sflag:s12] =	ssyncadd.s32 $0xFFFFF000  }
0xbb: {  	[hbm4b:s20+s8] =	stream.strided.scatter [tilespmem:s6], [sflag:$0x4], $0x1000, s10, s8, $0x38;
	[tilespmem:$0x2D00] =	vst v63  }
0xbc: {  	_ =	swait.ge [sflag:s11], $0x1000  }
0xbd: {  	s21 =	sld [smem:$0x7E7]  }
0xbe: {  	[sflag:s11] =	ssyncset.done $0x0  }
0xbf: {  	s20 =	simm.s32 $0x780;
	[sflag:s11] =	ssyncadd.s32 $0xFFFFF000  }
0xc0: {  	[tilespmem:s6], [sflag:$0x2] =	stream.indirect.gather [hbm4b:s21+s3], $0x20, s20, s3, $0xb8;
	[tilespmem:$0x2D00] =	vst v63  }
0xc1: {  	_ =	swait.ge [sflag:s7], $0x1000  }
0xc2: {  	s22 =	sld [smem:$0x7E8]  }
0xc3: {  	[sflag:s7] =	ssyncset.done $0x0  }
0xc4: {  	[sflag:s7] =	ssyncadd.s32 $0xFFFFF000  }
0xc5: {  	[hbm4b:s22+s8] =	stream.strided.scatter [tilespmem:s5], [sflag:$0x3], $0x1000, s10, s8, $0x38;
	[tilespmem:$0x2D00] =	vst v63  }
0xc6: {  	_ =	swait.ge [sflag:s9], $0x1000  }
0xc7: {  	s23 =	sld [smem:$0x7E9]  }
0xc8: {  	[sflag:s9] =	ssyncset.done $0x0  }
0xc9: {  	s21 =	simm.s32 $0x800;
	[sflag:s9] =	ssyncadd.s32 $0xFFFFF000  }
0xca: {  	[tilespmem:s5], [sflag:$0x1] =	stream.indirect.gather [hbm4b:s23+s3], $0x20, s21, s3, $0xb8;
	[tilespmem:$0x2D00] =	vst v63  }
0xcb: {  	_ =	swait.ge [sflag:s12], $0x1000  }
0xcc: {  	s24 =	sld [smem:$0x7EA]  }
0xcd: {  	[sflag:s12] =	ssyncset.done $0x0  }
0xce: {  	[sflag:s12] =	ssyncadd.s32 $0xFFFFF000  }
0xcf: {  	[hbm4b:s24+s8] =	stream.strided.scatter [tilespmem:s6], [sflag:$0x4], $0x1000, s10, s8, $0x38;
	[tilespmem:$0x2D00] =	vst v63  }
0xd0: {  	_ =	swait.ge [sflag:s11], $0x1000  }
0xd1: {  	s25 =	sld [smem:$0x7EB]  }
0xd2: {  	[sflag:s11] =	ssyncset.done $0x0  }
0xd3: {  	s22 =	simm.s32 $0x880;
	[sflag:s11] =	ssyncadd.s32 $0xFFFFF000  }
0xd4: {  	[tilespmem:s6], [sflag:$0x2] =	stream.indirect.gather [hbm4b:s25+s3], $0x20, s22, s3, $0xb8;
	[tilespmem:$0x2D00] =	vst v63  }
0xd5: {  	_ =	swait.ge [sflag:s7], $0x1000  }
0xd6: {  	s26 =	sld [smem:$0x7EC]  }
0xd7: {  	[sflag:s7] =	ssyncset.done $0x0  }
0xd8: {  	[sflag:s7] =	ssyncadd.s32 $0xFFFFF000  }
0xd9: {  	[hbm4b:s26+s8] =	stream.strided.scatter [tilespmem:s5], [sflag:$0x3], $0x1000, s10, s8, $0x38;
	[tilespmem:$0x2D00] =	vst v63  }
0xda: {  	_ =	swait.ge [sflag:s9], $0x1000  }
0xdb: {  	s13 =	sld [smem:$0x7ED]  }
0xdc: {  	[sflag:s9] =	ssyncset.done $0x0  }
0xdd: {  	s23 =	simm.s32 $0x900;
	[sflag:s9] =	ssyncadd.s32 $0xFFFFF000  }
0xde: {  	[tilespmem:s5], [sflag:$0x1] =	stream.indirect.gather [hbm4b:s13+s3], $0x20, s23, s3, $0xb8;
	[tilespmem:$0x2D00] =	vst v63  }
0xdf: {  	_ =	swait.ge [sflag:s12], $0x1000  }
0xe0: {  	s24 =	sld [smem:$0x7EE]  }
0xe1: {  	[sflag:s12] =	ssyncset.done $0x0  }
0xe2: {  	[sflag:s12] =	ssyncadd.s32 $0xFFFFF000  }
0xe3: {  	[hbm4b:s24+s8] =	stream.strided.scatter [tilespmem:s6], [sflag:$0x4], $0x1000, s10, s8, $0x38;
	[tilespmem:$0x2D00] =	vst v63  }
0xe4: {  	_ =	swait.ge [sflag:s11], $0x1000  }
0xe5: {  	s25 =	sld [smem:$0x7EF]  }
0xe6: {  	[sflag:s11] =	ssyncset.done $0x0  }
0xe7: {  	s24 =	simm.s32 $0x980;
	[sflag:s11] =	ssyncadd.s32 $0xFFFFF000  }
0xe8: {  	[tilespmem:s6], [sflag:$0x2] =	stream.indirect.gather [hbm4b:s25+s3], $0x20, s24, s3, $0xb8;
	[tilespmem:$0x2D00] =	vst v63  }
0xe9: {  	_ =	swait.ge [sflag:s7], $0x1000  }
0xea: {  	s26 =	sld [smem:$0x7F0]  }
0xeb: {  	[sflag:s7] =	ssyncset.done $0x0  }
0xec: {  	[sflag:s7] =	ssyncadd.s32 $0xFFFFF000  }
0xed: {  	[hbm4b:s26+s8] =	stream.strided.scatter [tilespmem:s5], [sflag:$0x3], $0x1000, s10, s8, $0x38;
	[tilespmem:$0x2D00] =	vst v63  }
0xee: {  	_ =	swait.ge [sflag:s9], $0x1000  }
0xef: {  	s13 =	sld [smem:$0x7F1]  }
0xf0: {  	[sflag:s9] =	ssyncset.done $0x0  }
0xf1: {  	s25 =	simm.s32 $0xA00;
	[sflag:s9] =	ssyncadd.s32 $0xFFFFF000  }
0xf2: {  	[tilespmem:s5], [sflag:$0x1] =	stream.indirect.gather [hbm4b:s13+s3], $0x20, s25, s3, $0xb8;
	[tilespmem:$0x2D00] =	vst v63  }
0xf3: {  	_ =	swait.ge [sflag:s12], $0x1000  }
0xf4: {  	s26 =	sld [smem:$0x7F2]  }
0xf5: {  	[sflag:s12] =	ssyncset.done $0x0  }
0xf6: {  	[sflag:s12] =	ssyncadd.s32 $0xFFFFF000  }
0xf7: {  	[hbm4b:s26+s8] =	stream.strided.scatter [tilespmem:s6], [sflag:$0x4], $0x1000, s10, s8, $0x38;
	[tilespmem:$0x2D00] =	vst v63  }
0xf8: {  	_ =	swait.ge [sflag:s11], $0x1000  }
0xf9: {  	s13 =	sld [smem:$0x7F3]  }
0xfa: {  	[sflag:s11] =	ssyncset.done $0x0  }
0xfb: {  	s26 =	simm.s32 $0xA80;
	[sflag:s11] =	ssyncadd.s32 $0xFFFFF000  }
0xfc: {  	[tilespmem:s6], [sflag:$0x2] =	stream.indirect.gather [hbm4b:s13+s3], $0x20, s26, s3, $0xb8;
	[tilespmem:$0x2D00] =	vst v63  }
0xfd: {  	_ =	swait.ge [sflag:s7], $0x1000  }
0xfe: {  	s13 =	sld [smem:$0x7F4]  }
0xff: {  	[sflag:s7] =	ssyncset.done $0x0  }
0x100: {  	[sflag:s7] =	ssyncadd.s32 $0xFFFFF000  }
0x101: {  	[hbm4b:s13+s8] =	stream.strided.scatter [tilespmem:s5], [sflag:$0x3], $0x1000, s10, s8, $0x38;
	[tilespmem:$0x2D00] =	vst v63  }
0x102: {  	_ =	swait.ge [sflag:s9], $0x1000  }
0x103: {  	s13 =	sld [smem:$0x7F5]  }
0x104: {  	[sflag:s9] =	ssyncset.done $0x0  }
0x105: {  	s28 =	simm.s32 $0xB00;
	[sflag:s9] =	ssyncadd.s32 $0xFFFFF000  }
0x106: {  	[tilespmem:s5], [sflag:$0x1] =	stream.indirect.gather [hbm4b:s13+s3], $0x20, s28, s3, $0xb8;
	[tilespmem:$0x2D00] =	vst v63  }
0x107: {  	_ =	swait.ge [sflag:s12], $0x1000  }
0x108: {  	s13 =	sld [smem:$0x7F6]  }
0x109: {  	[sflag:s12] =	ssyncset.done $0x0  }
0x10a: {  	[sflag:s12] =	ssyncadd.s32 $0xFFFFF000  }
0x10b: {  	[hbm4b:s13+s8] =	stream.strided.scatter [tilespmem:s6], [sflag:$0x4], $0x1000, s10, s8, $0x38;
	[tilespmem:$0x2D00] =	vst v63  }
0x10c: {  	_ =	swait.ge [sflag:s11], $0x1000  }
0x10d: {  	s13 =	sld [smem:$0x7F7]  }
0x10e: {  	[sflag:s11] =	ssyncset.done $0x0  }
0x10f: {  	s29 =	simm.s32 $0xB80;
	[sflag:s11] =	ssyncadd.s32 $0xFFFFF000  }
0x110: {  	[tilespmem:s6], [sflag:$0x2] =	stream.indirect.gather [hbm4b:s13+s3], $0x20, s29, s3, $0xb8;
	[tilespmem:$0x2D00] =	vst v63  }
0x111: {  	_ =	swait.ge [sflag:s7], $0x1000  }
0x112: {  	s13 =	sld [smem:$0x7F8]  }
0x113: {  	[sflag:s7] =	ssyncset.done $0x0  }
0x114: {  	[sflag:s7] =	ssyncadd.s32 $0xFFFFF000  }
0x115: {  	[hbm4b:s13+s8] =	stream.strided.scatter [tilespmem:s5], [sflag:$0x3], $0x1000, s10, s8, $0x38;
	[tilespmem:$0x2D00] =	vst v63  }
0x116: {  	_ =	swait.ge [sflag:s9], $0x1000  }
0x117: {  	s13 =	sld [smem:$0x7F9]  }
0x118: {  	[sflag:s9] =	ssyncset.done $0x0  }
0x119: {  	s30 =	simm.s32 $0xC00;
	[sflag:s9] =	ssyncadd.s32 $0xFFFFF000  }
0x11a: {  	[tilespmem:s5], [sflag:$0x1] =	stream.indirect.gather [hbm4b:s13+s3], $0x20, s30, s3, $0xb8;
	[tilespmem:$0x2D00] =	vst v63  }
0x11b: {  	_ =	swait.ge [sflag:s12], $0x1000  }
0x11c: {  	s13 =	sld [smem:$0x7FA]  }
0x11d: {  	[sflag:s12] =	ssyncset.done $0x0  }
0x11e: {  	[sflag:s12] =	ssyncadd.s32 $0xFFFFF000  }
0x11f: {  	[hbm4b:s13+s8] =	stream.strided.scatter [tilespmem:s6], [sflag:$0x4], $0x1000, s10, s8, $0x38;
	[tilespmem:$0x2D00] =	vst v63  }
0x120: {  	_ =	swait.ge [sflag:s11], $0x1000  }
0x121: {  	s13 =	sld [smem:$0x7FB]  }
0x122: {  	s0 =	ssub.s32 $0x2, s0;
	[sflag:s11] =	ssyncset.done $0x0  }
0x123: {  	s31 =	simm.s32 $0xC80;
	s1 =	sshrl.u32 s0, $0x1;
	[sflag:s11] =	ssyncadd.s32 $0xFFFFF000  }
0x124: {  	[tilespmem:s6], [sflag:$0x2] =	stream.indirect.gather [hbm4b:s13+s3], $0x20, s31, s3, $0xb8;
	[tilespmem:$0x2D00] =	vst v63  }
0x125: {  	s0 =	ssub.s32 s0, s1;
	_ =	swait.ge [sflag:s7], $0x1000  }
0x126: {  	s0 =	smax.u32 s0, $0x1;
	s13 =	sld [smem:$0x7FC]  }
0x127: {  	p0 =	sne.s32 s0, $0x1;
	[sflag:s7] =	ssyncset.done $0x0  }
.Ltmp0:
0x128: {  	[sflag:s7] =	ssyncadd.s32 $0xFFFFF000;
	(pc) =	sbr.rel @!p0 .LBB2_2-.Ltmp0, $4  }
0x129: {  	[hbm4b:s13+s8] =	stream.strided.scatter [tilespmem:s5], [sflag:$0x3], $0x1000, s10, s8, $0x38;
	[tilespmem:$0x2D00] =	vst v63  }
0x12a: {  	_ =	swait.ge [sflag:s12], $0x1000  }
0x12b: {  	[sflag:s12] =	ssyncset.done $0x0  }
0x12c: {  	s0 =	sadd.s32 $0xFFFFFFFF, s0;
	s1 =	sld [smem:$0x7FD];
	[sflag:s12] =	ssyncadd.s32 $0xFFFFF000  }
.LBB2_1:
0x12d: {  	_ =	sdelay $0x1  }
0x12e: {  	[hbm4b:s1+s8] =	stream.strided.scatter [tilespmem:s6], [sflag:$0x4], $0x1000, s10, s8, $0x38;
	[tilespmem:$0x2D00] =	vst v63  }
0x12f: {  	_ =	swait.ge [sflag:s9], $0x1000  }
0x130: {  	[sflag:s9] =	ssyncset.done $0x0  }
0x131: {  	[sflag:s9] =	ssyncadd.s32 $0xFFFFF000  }
0x132: {  	_ =	swait.ge [sflag:s11], $0x1000  }
0x133: {  	s13 =	sld [smem:$0x7DF]  }
0x134: {  	[sflag:s11] =	ssyncset.done $0x0  }
0x135: {  	s1 =	rddreg [dreg:$0x4];
	[sflag:s11] =	ssyncadd.s32 $0xFFFFF000  }
0x136: {  	[tilespmem:s2], [sflag:$0x5] =	stream.strided.gather [hbm4b:s1+s3], $0xD00, s13, s3, $0x38;
	[tilespmem:$0x2D00] =	vst v63  }
0x137: {  	_ =	swait.ge [sflag:s4], $0xD00  }
0x138: {  	[sflag:s4] =	ssyncset.done $0x0  }
0x139: {  	s1 =	rddreg [dreg:$0x3];
	[sflag:s4] =	ssyncadd.s32 $0xFFFFF300  }
0x13a: {  	[tilespmem:s5], [sflag:$0x1] =	stream.indirect.gather [hbm4b:s1+s3], $0x20, s2, s3, $0xb8;
	[tilespmem:$0x2D00] =	vst v63  }
0x13b: {  	s13 =	rddreg [dreg:$0x5]  }
0x13c: {  	[tilespmem:s6], [sflag:$0x2] =	stream.indirect.gather [hbm4b:s13+s3], $0x20, s3, s3, $0xb8;
	[tilespmem:$0x2D00] =	vst v63  }
0x13d: {  	_ =	swait.ge [sflag:s7], $0x1000  }
0x13e: {  	[sflag:s7] =	ssyncset.done $0x0  }
0x13f: {  	s13 =	rddreg [dreg:$0x6];
	[sflag:s7] =	ssyncadd.s32 $0xFFFFF000  }
0x140: {  	[hbm4b:s13+s8] =	stream.strided.scatter [tilespmem:s5], [sflag:$0x3], $0x1000, s10, s8, $0x38;
	[tilespmem:$0x2D00] =	vst v63  }
0x141: {  	_ =	swait.ge [sflag:s9], $0x1000  }
0x142: {  	s13 =	sld [smem:$0x7E0]  }
0x143: {  	[sflag:s9] =	ssyncset.done $0x0  }
0x144: {  	s1 =	rddreg [dreg:$0x7];
	[sflag:s9] =	ssyncadd.s32 $0xFFFFF000  }
0x145: {  	[tilespmem:s5], [sflag:$0x1] =	stream.indirect.gather [hbm4b:s1+s3], $0x20, s13, s3, $0xb8;
	[tilespmem:$0x2D00] =	vst v63  }
0x146: {  	_ =	swait.ge [sflag:s12], $0x1000  }
0x147: {  	[sflag:s12] =	ssyncset.done $0x0  }
0x148: {  	s13 =	rddreg [dreg:$0x8];
	[sflag:s12] =	ssyncadd.s32 $0xFFFFF000  }
0x149: {  	[hbm4b:s13+s8] =	stream.strided.scatter [tilespmem:s6], [sflag:$0x4], $0x1000, s10, s8, $0x38;
	[tilespmem:$0x2D00] =	vst v63  }
0x14a: {  	_ =	swait.ge [sflag:s11], $0x1000  }
0x14b: {  	s13 =	sld [smem:$0x7E1]  }
0x14c: {  	[sflag:s11] =	ssyncset.done $0x0  }
0x14d: {  	s1 =	rddreg [dreg:$0x9];
	[sflag:s11] =	ssyncadd.s32 $0xFFFFF000  }
0x14e: {  	[tilespmem:s6], [sflag:$0x2] =	stream.indirect.gather [hbm4b:s1+s3], $0x20, s13, s3, $0xb8;
	[tilespmem:$0x2D00] =	vst v63  }
0x14f: {  	_ =	swait.ge [sflag:s7], $0x1000  }
0x150: {  	[sflag:s7] =	ssyncset.done $0x0  }
0x151: {  	s13 =	rddreg [dreg:$0xa];
	[sflag:s7] =	ssyncadd.s32 $0xFFFFF000  }
0x152: {  	[hbm4b:s13+s8] =	stream.strided.scatter [tilespmem:s5], [sflag:$0x3], $0x1000, s10, s8, $0x38;
	[tilespmem:$0x2D00] =	vst v63  }
0x153: {  	_ =	swait.ge [sflag:s9], $0x1000  }
0x154: {  	s13 =	sld [smem:$0x7E2]  }
0x155: {  	[sflag:s9] =	ssyncset.done $0x0  }
0x156: {  	s1 =	rddreg [dreg:$0xb];
	[sflag:s9] =	ssyncadd.s32 $0xFFFFF000  }
0x157: {  	[tilespmem:s5], [sflag:$0x1] =	stream.indirect.gather [hbm4b:s1+s3], $0x20, s13, s3, $0xb8;
	[tilespmem:$0x2D00] =	vst v63  }
0x158: {  	_ =	swait.ge [sflag:s12], $0x1000  }
0x159: {  	[sflag:s12] =	ssyncset.done $0x0  }
0x15a: {  	s13 =	rddreg [dreg:$0xc];
	[sflag:s12] =	ssyncadd.s32 $0xFFFFF000  }
0x15b: {  	[hbm4b:s13+s8] =	stream.strided.scatter [tilespmem:s6], [sflag:$0x4], $0x1000, s10, s8, $0x38;
	[tilespmem:$0x2D00] =	vst v63  }
0x15c: {  	_ =	swait.ge [sflag:s11], $0x1000  }
0x15d: {  	s13 =	sld [smem:$0x7E3]  }
0x15e: {  	[sflag:s11] =	ssyncset.done $0x0  }
0x15f: {  	s1 =	rddreg [dreg:$0xd];
	[sflag:s11] =	ssyncadd.s32 $0xFFFFF000  }
0x160: {  	[tilespmem:s6], [sflag:$0x2] =	stream.indirect.gather [hbm4b:s1+s3], $0x20, s13, s3, $0xb8;
	[tilespmem:$0x2D00] =	vst v63  }
0x161: {  	_ =	swait.ge [sflag:s7], $0x1000  }
0x162: {  	[sflag:s7] =	ssyncset.done $0x0  }
0x163: {  	s13 =	rddreg [dreg:$0xe];
	[sflag:s7] =	ssyncadd.s32 $0xFFFFF000  }
0x164: {  	[hbm4b:s13+s8] =	stream.strided.scatter [tilespmem:s5], [sflag:$0x3], $0x1000, s10, s8, $0x38;
	[tilespmem:$0x2D00] =	vst v63  }
0x165: {  	_ =	swait.ge [sflag:s9], $0x1000  }
0x166: {  	s13 =	sld [smem:$0x7E4]  }
0x167: {  	[sflag:s9] =	ssyncset.done $0x0  }
0x168: {  	s1 =	rddreg [dreg:$0xf];
	[sflag:s9] =	ssyncadd.s32 $0xFFFFF000  }
0x169: {  	[tilespmem:s5], [sflag:$0x1] =	stream.indirect.gather [hbm4b:s1+s3], $0x20, s13, s3, $0xb8;
	[tilespmem:$0x2D00] =	vst v63  }
0x16a: {  	_ =	swait.ge [sflag:s12], $0x1000  }
0x16b: {  	[sflag:s12] =	ssyncset.done $0x0  }
0x16c: {  	s13 =	rddreg [dreg:$0x10];
	[sflag:s12] =	ssyncadd.s32 $0xFFFFF000  }
0x16d: {  	[hbm4b:s13+s8] =	stream.strided.scatter [tilespmem:s6], [sflag:$0x4], $0x1000, s10, s8, $0x38;
	[tilespmem:$0x2D00] =	vst v63  }
0x16e: {  	_ =	swait.ge [sflag:s11], $0x1000  }
0x16f: {  	s13 =	sld [smem:$0x7E5]  }
0x170: {  	[sflag:s11] =	ssyncset.done $0x0  }
0x171: {  	s1 =	rddreg [dreg:$0x11];
	[sflag:s11] =	ssyncadd.s32 $0xFFFFF000  }
0x172: {  	[tilespmem:s6], [sflag:$0x2] =	stream.indirect.gather [hbm4b:s1+s3], $0x20, s13, s3, $0xb8;
	[tilespmem:$0x2D00] =	vst v63  }
0x173: {  	_ =	swait.ge [sflag:s7], $0x1000  }
0x174: {  	[sflag:s7] =	ssyncset.done $0x0  }
0x175: {  	s13 =	rddreg [dreg:$0x12];
	[sflag:s7] =	ssyncadd.s32 $0xFFFFF000  }
0x176: {  	[hbm4b:s13+s8] =	stream.strided.scatter [tilespmem:s5], [sflag:$0x3], $0x1000, s10, s8, $0x38;
	[tilespmem:$0x2D00] =	vst v63  }
0x177: {  	_ =	swait.ge [sflag:s9], $0x1000  }
0x178: {  	[sflag:s9] =	ssyncset.done $0x0  }
0x179: {  	s13 =	simm.s32 $0x400;
	s1 =	rddreg [dreg:$0x13];
	[sflag:s9] =	ssyncadd.s32 $0xFFFFF000  }
0x17a: {  	[tilespmem:s5], [sflag:$0x1] =	stream.indirect.gather [hbm4b:s1+s3], $0x20, s13, s3, $0xb8;
	[tilespmem:$0x2D00] =	vst v63  }
0x17b: {  	_ =	swait.ge [sflag:s12], $0x1000  }
0x17c: {  	[sflag:s12] =	ssyncset.done $0x0  }
0x17d: {  	s13 =	rddreg [dreg:$0x14];
	[sflag:s12] =	ssyncadd.s32 $0xFFFFF000  }
0x17e: {  	[hbm4b:s13+s8] =	stream.strided.scatter [tilespmem:s6], [sflag:$0x4], $0x1000, s10, s8, $0x38;
	[tilespmem:$0x2D00] =	vst v63  }
0x17f: {  	_ =	swait.ge [sflag:s11], $0x1000  }
0x180: {  	[sflag:s11] =	ssyncset.done $0x0  }
0x181: {  	s13 =	rddreg [dreg:$0x15];
	[sflag:s11] =	ssyncadd.s32 $0xFFFFF000  }
0x182: {  	[tilespmem:s6], [sflag:$0x2] =	stream.indirect.gather [hbm4b:s13+s3], $0x20, s14, s3, $0xb8;
	[tilespmem:$0x2D00] =	vst v63  }
0x183: {  	_ =	swait.ge [sflag:s7], $0x1000  }
0x184: {  	[sflag:s7] =	ssyncset.done $0x0  }
0x185: {  	s13 =	rddreg [dreg:$0x16];
	[sflag:s7] =	ssyncadd.s32 $0xFFFFF000  }
0x186: {  	[hbm4b:s13+s8] =	stream.strided.scatter [tilespmem:s5], [sflag:$0x3], $0x1000, s10, s8, $0x38;
	[tilespmem:$0x2D00] =	vst v63  }
0x187: {  	_ =	swait.ge [sflag:s9], $0x1000  }
0x188: {  	[sflag:s9] =	ssyncset.done $0x0  }
0x189: {  	s13 =	rddreg [dreg:$0x17];
	[sflag:s9] =	ssyncadd.s32 $0xFFFFF000  }
0x18a: {  	[tilespmem:s5], [sflag:$0x1] =	stream.indirect.gather [hbm4b:s13+s3], $0x20, s15, s3, $0xb8;
	[tilespmem:$0x2D00] =	vst v63  }
0x18b: {  	_ =	swait.ge [sflag:s12], $0x1000  }
0x18c: {  	[sflag:s12] =	ssyncset.done $0x0  }
0x18d: {  	s13 =	rddreg [dreg:$0x18];
	[sflag:s12] =	ssyncadd.s32 $0xFFFFF000  }
0x18e: {  	[hbm4b:s13+s8] =	stream.strided.scatter [tilespmem:s6], [sflag:$0x4], $0x1000, s10, s8, $0x38;
	[tilespmem:$0x2D00] =	vst v63  }
0x18f: {  	_ =	swait.ge [sflag:s11], $0x1000  }
0x190: {  	[sflag:s11] =	ssyncset.done $0x0  }
0x191: {  	s13 =	rddreg [dreg:$0x19];
	[sflag:s11] =	ssyncadd.s32 $0xFFFFF000  }
0x192: {  	[tilespmem:s6], [sflag:$0x2] =	stream.indirect.gather [hbm4b:s13+s3], $0x20, s16, s3, $0xb8;
	[tilespmem:$0x2D00] =	vst v63  }
0x193: {  	_ =	swait.ge [sflag:s7], $0x1000  }
0x194: {  	[sflag:s7] =	ssyncset.done $0x0  }
0x195: {  	s13 =	rddreg [dreg:$0x1a];
	[sflag:s7] =	ssyncadd.s32 $0xFFFFF000  }
0x196: {  	[hbm4b:s13+s8] =	stream.strided.scatter [tilespmem:s5], [sflag:$0x3], $0x1000, s10, s8, $0x38;
	[tilespmem:$0x2D00] =	vst v63  }
0x197: {  	_ =	swait.ge [sflag:s9], $0x1000  }
0x198: {  	[sflag:s9] =	ssyncset.done $0x0  }
0x199: {  	s13 =	rddreg [dreg:$0x1b];
	[sflag:s9] =	ssyncadd.s32 $0xFFFFF000  }
0x19a: {  	[tilespmem:s5], [sflag:$0x1] =	stream.indirect.gather [hbm4b:s13+s3], $0x20, s17, s3, $0xb8;
	[tilespmem:$0x2D00] =	vst v63  }
0x19b: {  	_ =	swait.ge [sflag:s12], $0x1000  }
0x19c: {  	[sflag:s12] =	ssyncset.done $0x0  }
0x19d: {  	s13 =	rddreg [dreg:$0x1c];
	[sflag:s12] =	ssyncadd.s32 $0xFFFFF000  }
0x19e: {  	[hbm4b:s13+s8] =	stream.strided.scatter [tilespmem:s6], [sflag:$0x4], $0x1000, s10, s8, $0x38;
	[tilespmem:$0x2D00] =	vst v63  }
0x19f: {  	_ =	swait.ge [sflag:s11], $0x1000  }
0x1a0: {  	[sflag:s11] =	ssyncset.done $0x0  }
0x1a1: {  	s13 =	rddreg [dreg:$0x1d];
	[sflag:s11] =	ssyncadd.s32 $0xFFFFF000  }
0x1a2: {  	[tilespmem:s6], [sflag:$0x2] =	stream.indirect.gather [hbm4b:s13+s3], $0x20, s18, s3, $0xb8;
	[tilespmem:$0x2D00] =	vst v63  }
0x1a3: {  	_ =	swait.ge [sflag:s7], $0x1000  }
0x1a4: {  	[sflag:s7] =	ssyncset.done $0x0  }
0x1a5: {  	s13 =	rddreg [dreg:$0x1e];
	[sflag:s7] =	ssyncadd.s32 $0xFFFFF000  }
0x1a6: {  	[hbm4b:s13+s8] =	stream.strided.scatter [tilespmem:s5], [sflag:$0x3], $0x1000, s10, s8, $0x38;
	[tilespmem:$0x2D00] =	vst v63  }
0x1a7: {  	_ =	swait.ge [sflag:s9], $0x1000  }
0x1a8: {  	[sflag:s9] =	ssyncset.done $0x0  }
0x1a9: {  	s13 =	rddreg [dreg:$0x1f];
	[sflag:s9] =	ssyncadd.s32 $0xFFFFF000  }
0x1aa: {  	[tilespmem:s5], [sflag:$0x1] =	stream.indirect.gather [hbm4b:s13+s3], $0x20, s19, s3, $0xb8;
	[tilespmem:$0x2D00] =	vst v63  }
0x1ab: {  	_ =	swait.ge [sflag:s12], $0x1000  }
0x1ac: {  	s13 =	sld [smem:$0x7E6]  }
0x1ad: {  	[sflag:s12] =	ssyncset.done $0x0  }
0x1ae: {  	[sflag:s12] =	ssyncadd.s32 $0xFFFFF000  }
0x1af: {  	[hbm4b:s13+s8] =	stream.strided.scatter [tilespmem:s6], [sflag:$0x4], $0x1000, s10, s8, $0x38;
	[tilespmem:$0x2D00] =	vst v63  }
0x1b0: {  	_ =	swait.ge [sflag:s11], $0x1000  }
0x1b1: {  	s13 =	sld [smem:$0x7E7]  }
0x1b2: {  	[sflag:s11] =	ssyncset.done $0x0  }
0x1b3: {  	[sflag:s11] =	ssyncadd.s32 $0xFFFFF000  }
0x1b4: {  	[tilespmem:s6], [sflag:$0x2] =	stream.indirect.gather [hbm4b:s13+s3], $0x20, s20, s3, $0xb8;
	[tilespmem:$0x2D00] =	vst v63  }
0x1b5: {  	_ =	swait.ge [sflag:s7], $0x1000  }
0x1b6: {  	s13 =	sld [smem:$0x7E8]  }
0x1b7: {  	[sflag:s7] =	ssyncset.done $0x0  }
0x1b8: {  	[sflag:s7] =	ssyncadd.s32 $0xFFFFF000  }
0x1b9: {  	[hbm4b:s13+s8] =	stream.strided.scatter [tilespmem:s5], [sflag:$0x3], $0x1000, s10, s8, $0x38;
	[tilespmem:$0x2D00] =	vst v63  }
0x1ba: {  	_ =	swait.ge [sflag:s9], $0x1000  }
0x1bb: {  	s13 =	sld [smem:$0x7E9]  }
0x1bc: {  	[sflag:s9] =	ssyncset.done $0x0  }
0x1bd: {  	[sflag:s9] =	ssyncadd.s32 $0xFFFFF000  }
0x1be: {  	[tilespmem:s5], [sflag:$0x1] =	stream.indirect.gather [hbm4b:s13+s3], $0x20, s21, s3, $0xb8;
	[tilespmem:$0x2D00] =	vst v63  }
0x1bf: {  	_ =	swait.ge [sflag:s12], $0x1000  }
0x1c0: {  	s13 =	sld [smem:$0x7EA]  }
0x1c1: {  	[sflag:s12] =	ssyncset.done $0x0  }
0x1c2: {  	[sflag:s12] =	ssyncadd.s32 $0xFFFFF000  }
0x1c3: {  	[hbm4b:s13+s8] =	stream.strided.scatter [tilespmem:s6], [sflag:$0x4], $0x1000, s10, s8, $0x38;
	[tilespmem:$0x2D00] =	vst v63  }
0x1c4: {  	_ =	swait.ge [sflag:s11], $0x1000  }
0x1c5: {  	s13 =	sld [smem:$0x7EB]  }
0x1c6: {  	[sflag:s11] =	ssyncset.done $0x0  }
0x1c7: {  	[sflag:s11] =	ssyncadd.s32 $0xFFFFF000  }
0x1c8: {  	[tilespmem:s6], [sflag:$0x2] =	stream.indirect.gather [hbm4b:s13+s3], $0x20, s22, s3, $0xb8;
	[tilespmem:$0x2D00] =	vst v63  }
0x1c9: {  	_ =	swait.ge [sflag:s7], $0x1000  }
0x1ca: {  	s13 =	sld [smem:$0x7EC]  }
0x1cb: {  	[sflag:s7] =	ssyncset.done $0x0  }
0x1cc: {  	[sflag:s7] =	ssyncadd.s32 $0xFFFFF000  }
0x1cd: {  	[hbm4b:s13+s8] =	stream.strided.scatter [tilespmem:s5], [sflag:$0x3], $0x1000, s10, s8, $0x38;
	[tilespmem:$0x2D00] =	vst v63  }
0x1ce: {  	_ =	swait.ge [sflag:s9], $0x1000  }
0x1cf: {  	s13 =	sld [smem:$0x7ED]  }
0x1d0: {  	[sflag:s9] =	ssyncset.done $0x0  }
0x1d1: {  	[sflag:s9] =	ssyncadd.s32 $0xFFFFF000  }
0x1d2: {  	[tilespmem:s5], [sflag:$0x1] =	stream.indirect.gather [hbm4b:s13+s3], $0x20, s23, s3, $0xb8;
	[tilespmem:$0x2D00] =	vst v63  }
0x1d3: {  	_ =	swait.ge [sflag:s12], $0x1000  }
0x1d4: {  	s13 =	sld [smem:$0x7EE]  }
0x1d5: {  	[sflag:s12] =	ssyncset.done $0x0  }
0x1d6: {  	[sflag:s12] =	ssyncadd.s32 $0xFFFFF000  }
0x1d7: {  	[hbm4b:s13+s8] =	stream.strided.scatter [tilespmem:s6], [sflag:$0x4], $0x1000, s10, s8, $0x38;
	[tilespmem:$0x2D00] =	vst v63  }
0x1d8: {  	_ =	swait.ge [sflag:s11], $0x1000  }
0x1d9: {  	s13 =	sld [smem:$0x7EF]  }
0x1da: {  	[sflag:s11] =	ssyncset.done $0x0  }
0x1db: {  	[sflag:s11] =	ssyncadd.s32 $0xFFFFF000  }
0x1dc: {  	[tilespmem:s6], [sflag:$0x2] =	stream.indirect.gather [hbm4b:s13+s3], $0x20, s24, s3, $0xb8;
	[tilespmem:$0x2D00] =	vst v63  }
0x1dd: {  	_ =	swait.ge [sflag:s7], $0x1000  }
0x1de: {  	s13 =	sld [smem:$0x7F0]  }
0x1df: {  	[sflag:s7] =	ssyncset.done $0x0  }
0x1e0: {  	[sflag:s7] =	ssyncadd.s32 $0xFFFFF000  }
0x1e1: {  	[hbm4b:s13+s8] =	stream.strided.scatter [tilespmem:s5], [sflag:$0x3], $0x1000, s10, s8, $0x38;
	[tilespmem:$0x2D00] =	vst v63  }
0x1e2: {  	_ =	swait.ge [sflag:s9], $0x1000  }
0x1e3: {  	s13 =	sld [smem:$0x7F1]  }
0x1e4: {  	[sflag:s9] =	ssyncset.done $0x0  }
0x1e5: {  	[sflag:s9] =	ssyncadd.s32 $0xFFFFF000  }
0x1e6: {  	[tilespmem:s5], [sflag:$0x1] =	stream.indirect.gather [hbm4b:s13+s3], $0x20, s25, s3, $0xb8;
	[tilespmem:$0x2D00] =	vst v63  }
0x1e7: {  	_ =	swait.ge [sflag:s12], $0x1000  }
0x1e8: {  	s13 =	sld [smem:$0x7F2]  }
0x1e9: {  	[sflag:s12] =	ssyncset.done $0x0  }
0x1ea: {  	[sflag:s12] =	ssyncadd.s32 $0xFFFFF000  }
0x1eb: {  	[hbm4b:s13+s8] =	stream.strided.scatter [tilespmem:s6], [sflag:$0x4], $0x1000, s10, s8, $0x38;
	[tilespmem:$0x2D00] =	vst v63  }
0x1ec: {  	_ =	swait.ge [sflag:s11], $0x1000  }
0x1ed: {  	s13 =	sld [smem:$0x7F3]  }
0x1ee: {  	[sflag:s11] =	ssyncset.done $0x0  }
0x1ef: {  	[sflag:s11] =	ssyncadd.s32 $0xFFFFF000  }
0x1f0: {  	[tilespmem:s6], [sflag:$0x2] =	stream.indirect.gather [hbm4b:s13+s3], $0x20, s26, s3, $0xb8;
	[tilespmem:$0x2D00] =	vst v63  }
0x1f1: {  	_ =	swait.ge [sflag:s7], $0x1000  }
0x1f2: {  	s13 =	sld [smem:$0x7F4]  }
0x1f3: {  	[sflag:s7] =	ssyncset.done $0x0  }
0x1f4: {  	[sflag:s7] =	ssyncadd.s32 $0xFFFFF000  }
0x1f5: {  	[hbm4b:s13+s8] =	stream.strided.scatter [tilespmem:s5], [sflag:$0x3], $0x1000, s10, s8, $0x38;
	[tilespmem:$0x2D00] =	vst v63  }
0x1f6: {  	_ =	swait.ge [sflag:s9], $0x1000  }
0x1f7: {  	s13 =	sld [smem:$0x7F5]  }
0x1f8: {  	[sflag:s9] =	ssyncset.done $0x0  }
0x1f9: {  	[sflag:s9] =	ssyncadd.s32 $0xFFFFF000  }
0x1fa: {  	[tilespmem:s5], [sflag:$0x1] =	stream.indirect.gather [hbm4b:s13+s3], $0x20, s28, s3, $0xb8;
	[tilespmem:$0x2D00] =	vst v63  }
0x1fb: {  	_ =	swait.ge [sflag:s12], $0x1000  }
0x1fc: {  	s13 =	sld [smem:$0x7F6]  }
0x1fd: {  	[sflag:s12] =	ssyncset.done $0x0  }
0x1fe: {  	[sflag:s12] =	ssyncadd.s32 $0xFFFFF000  }
0x1ff: {  	[hbm4b:s13+s8] =	stream.strided.scatter [tilespmem:s6], [sflag:$0x4], $0x1000, s10, s8, $0x38;
	[tilespmem:$0x2D00] =	vst v63  }
0x200: {  	_ =	swait.ge [sflag:s11], $0x1000  }
0x201: {  	s13 =	sld [smem:$0x7F7]  }
0x202: {  	[sflag:s11] =	ssyncset.done $0x0  }
0x203: {  	[sflag:s11] =	ssyncadd.s32 $0xFFFFF000  }
0x204: {  	[tilespmem:s6], [sflag:$0x2] =	stream.indirect.gather [hbm4b:s13+s3], $0x20, s29, s3, $0xb8;
	[tilespmem:$0x2D00] =	vst v63  }
0x205: {  	_ =	swait.ge [sflag:s7], $0x1000  }
0x206: {  	s13 =	sld [smem:$0x7F8]  }
0x207: {  	[sflag:s7] =	ssyncset.done $0x0  }
0x208: {  	[sflag:s7] =	ssyncadd.s32 $0xFFFFF000  }
0x209: {  	[hbm4b:s13+s8] =	stream.strided.scatter [tilespmem:s5], [sflag:$0x3], $0x1000, s10, s8, $0x38;
	[tilespmem:$0x2D00] =	vst v63  }
0x20a: {  	_ =	swait.ge [sflag:s9], $0x1000  }
0x20b: {  	s13 =	sld [smem:$0x7F9]  }
0x20c: {  	[sflag:s9] =	ssyncset.done $0x0  }
0x20d: {  	[sflag:s9] =	ssyncadd.s32 $0xFFFFF000  }
0x20e: {  	[tilespmem:s5], [sflag:$0x1] =	stream.indirect.gather [hbm4b:s13+s3], $0x20, s30, s3, $0xb8;
	[tilespmem:$0x2D00] =	vst v63  }
0x20f: {  	_ =	swait.ge [sflag:s12], $0x1000  }
0x210: {  	s13 =	sld [smem:$0x7FA]  }
0x211: {  	[sflag:s12] =	ssyncset.done $0x0  }
0x212: {  	[sflag:s12] =	ssyncadd.s32 $0xFFFFF000  }
0x213: {  	[hbm4b:s13+s8] =	stream.strided.scatter [tilespmem:s6], [sflag:$0x4], $0x1000, s10, s8, $0x38;
	[tilespmem:$0x2D00] =	vst v63  }
0x214: {  	_ =	swait.ge [sflag:s11], $0x1000  }
0x215: {  	s13 =	sld [smem:$0x7FB]  }
0x216: {  	[sflag:s11] =	ssyncset.done $0x0  }
0x217: {  	[sflag:s11] =	ssyncadd.s32 $0xFFFFF000  }
0x218: {  	[tilespmem:s6], [sflag:$0x2] =	stream.indirect.gather [hbm4b:s13+s3], $0x20, s31, s3, $0xb8;
	[tilespmem:$0x2D00] =	vst v63  }
0x219: {  	_ =	swait.ge [sflag:s7], $0x1000  }
0x21a: {  	s13 =	sld [smem:$0x7FC]  }
0x21b: {  	p0 =	sne.s32 s0, $0x1;
	[sflag:s7] =	ssyncset.done $0x0  }
.Ltmp1:
0x21c: {  	[sflag:s7] =	ssyncadd.s32 $0xFFFFF000;
	(pc) =	sbr.rel @p0 .LBB2_1-.Ltmp1, $4  }
0x21d: {  	[hbm4b:s13+s8] =	stream.strided.scatter [tilespmem:s5], [sflag:$0x3], $0x1000, s10, s8, $0x38;
	[tilespmem:$0x2D00] =	vst v63  }
0x21e: {  	_ =	swait.ge [sflag:s12], $0x1000  }
0x21f: {  	[sflag:s12] =	ssyncset.done $0x0  }
0x220: {  	s0 =	sadd.s32 $0xFFFFFFFF, s0;
	s1 =	sld [smem:$0x7FD];
	[sflag:s12] =	ssyncadd.s32 $0xFFFFF000  }
.LBB2_2:
0x221: {  	_ =	sdelay $0x1  }
0x222: {  	[hbm4b:s1+s8] =	stream.strided.scatter [tilespmem:s6], [sflag:$0x4], $0x1000, s10, s8, $0x38;
	[tilespmem:$0x2D00] =	vst v63  }
0x223: {  	_ =	swait.ge [sflag:s9], $0x1000  }
0x224: {  	[sflag:s9] =	ssyncset.done $0x0  }
0x225: {  	[sflag:s9] =	ssyncadd.s32 $0xFFFFF000  }
0x226: {  	_ =	swait.ge [sflag:s11], $0x1000  }
0x227: {  	[sflag:s11] =	ssyncset.done $0x0  }
0x228: {  	[sflag:s11] =	ssyncadd.s32 $0xFFFFF000  }
0x229: {  	_ =	sfence.sel $0x180000  }
0x22a: {  	[bflag:$0x0] =	sbarrier.arrive $0xFFFF  }
0x22b: {  	_ =	strace $0x90000047  }
0x22c: {  	s0 =	stileid.u32;
	[bflag:$0x2] =	sbarrier.arrive $0xFFFF  }
0x22d: {  	p0 =	sne.s32 s0, $0x0;
	s0 =	rddreg [dreg:$0x2]  }
0x22e: {  	s0 =	sadd.s32 @!p0 $0x100000, s0  }
0x22f: {  	[sflag:s0] =	ssyncadd.tile.s32 @!p0 $0x1;
	_ =	shalt  }
.Lfunc_end2:
_tile_overlayer_lowered:
.L_overlay_start_2:
0x230: {  	(tag) =	ssettag $0x2  }
0x231: {  	s0 =	rddreg [dreg:$0x0];
	s2 =	stileid.u32  }
0x232: {  	s1 =	rddreg [dreg:$0x1];
	p0 =	sne.s32 s2, $0x0  }
0x233: {  	s3 =	rddreg [dreg:$0x2];
	[bflag:$0x3] =	sbarrier.arrive $0xFFFF;
	s2 =	simm.s32 @!p0 $0x1C05  }
0x234: {  	[timem:s3], [sflag:s2] =	dma.local @!p0 [hbm:s0], s1  }
0x235: {  	s0 =	simm.s32 @!p0 $0x5  }
0x236: {  	_ =	swait.ge @!p0 [sflag:s0], s1  }
0x237: {  	s1 =	ssub.s32 @!p0 $0x0, s1;
	[sflag:s0] =	ssyncset.done @!p0 $0x0  }
0x238: {  	[sflag:s0] =	ssyncadd.s32 @!p0 s1  }
0x239: {  	[bflag:$0x3] =	sbarrier.arrive $0xFFFF  }
0x23a: {  	_ =	shalt  }

</sc_bundles>
